<compile_context>
chip_gen: v7x
topology: tpu7x:2x2x1
jax: 0.10.2.dev20260603
libtpu: 0.0.44.dev20260713+nightly
codegen_flags: <defaults>
</compile_context>

<pallas_src>
import functools

import jax
import jax.numpy as jnp
from jax import lax
from jax.experimental import pallas as pl
from jax.experimental.pallas import tpu as pltpu
from jax.experimental.pallas import tpu_sc as plsc

_info = plsc.get_sparse_core_info()
_NC = _info.num_cores
_NS = _info.num_subcores
_NW = _NC * _NS

_CHUNK = 128
_NBUF = 8


@functools.partial(jax.jit, static_argnames=("n_rows", "dim"))
def _sc_gather(weight, idx, *, n_rows, dim):
    b_per_w = n_rows // _NW
    n_chunks = b_per_w // _CHUNK
    n_groups = n_chunks // _NBUF
    mesh = plsc.VectorSubcoreMesh(core_axis_name="c", subcore_axis_name="s")

    @functools.partial(
        pl.kernel,
        mesh=mesh,
        out_type=jax.ShapeDtypeStruct((n_rows, dim), jnp.float32),
        scratch_types=[
            pltpu.VMEM((b_per_w,), jnp.int32),
            pltpu.VMEM((_NBUF, _CHUNK, dim), jnp.float32),
            pltpu.SemaphoreType.DMA((_NBUF,)),
            pltpu.SemaphoreType.DMA((_NBUF,)),
        ],
        compiler_params=pltpu.CompilerParams(use_tc_tiling_on_sc=False),
    )
    def k(table_hbm, idx_hbm, out_hbm, idx_v, rows_v, gsem, ssem):
        wid = lax.axis_index("s") * _NC + lax.axis_index("c")
        base = wid * b_per_w
        pltpu.sync_copy(idx_hbm.at[pl.ds(base, b_per_w)], idx_v)

        def gather_copy(chunk, b):
            off = pl.multiple_of(chunk * _CHUNK, 8)
            return pltpu.make_async_copy(
                table_hbm.at[idx_v.at[pl.ds(off, _CHUNK)]],
                rows_v.at[b],
                gsem.at[b],
            )

        def store_copy(chunk, b):
            off = pl.multiple_of(chunk * _CHUNK, 8)
            return pltpu.make_async_copy(
                rows_v.at[b],
                out_hbm.at[pl.ds(base + off, _CHUNK), :],
                ssem.at[b],
            )

        for b in range(_NBUF):
            gather_copy(b, b).start()

        def group(grp, carry):
            for b in range(_NBUF):
                chunk = grp * _NBUF + b
                gather_copy(chunk, b).wait()
                store_copy(chunk, b).start()
                store_copy(chunk, b).wait()

                @pl.when(grp < n_groups - 1)
                def _():
                    gather_copy(chunk + _NBUF, b).start()

            return carry

        lax.fori_loop(0, n_groups, group, 0)

    return k(weight, idx)


def kernel(input, weight):
    n_rows = input.size
    dim = weight.shape[1]
    idx = input.reshape(n_rows).astype(jnp.int32)
    out = _sc_gather(weight, idx, n_rows=n_rows, dim=dim)
    return out.reshape(input.shape + (dim,))

# --- scband reference (transcript-rebuilt; emitter-appended) ---
"""Pipeline reference for scband-dynamic-embedding-7284264534720 (READ-ONLY COPY).

The authoritative reference and input builder live on the scoring server;
editing this copy changes nothing except your own understanding.
"""

import jax, jax.numpy as jnp
import numpy as np

EMBED_DIM = 32
MAX_SIZE = 100000
PADDING_IDX = 0

def setup_inputs(seed: int = 0) -> dict:
    key = jax.random.key(seed)
    k_idx, k_w = jax.random.split(key)
    input = jax.random.randint(k_idx, (16384, 50), 0, MAX_SIZE, dtype=jnp.int64 if jax.config.jax_enable_x64 else jnp.int32)
    weight = jax.random.normal(k_w, (MAX_SIZE, EMBED_DIM), dtype=jnp.float32)
    # zero the padding row, matching reset_parameters()
    weight = weight.at[PADDING_IDX].set(0.0)
    return {"input": input, "weight": weight}

def reference(input, weight):
    # nn.functional.embedding(input, weight, padding_idx) forward is a pure gather;
    # the padding row of weight is already zeroed at init.
    out = jnp.take(weight, input, axis=0)
    return out

if __name__ == "__main__":
    import jax
    _d = setup_inputs()
    print(jax.jit(kernel)(*tuple(_d.values())))

</pallas_src>

<mosaic_0001>
#map = affine_map<(d0, d1) -> (0, 0)>
#map1 = affine_map<(d0, d1) -> (0)>
module attributes {stable_mosaic.version = 14 : i64} {
  func.func @k(%arg0: i32, %arg1: i32, %arg2: memref<100000x32xf32, #tpu.memory_space<hbm>>, %arg3: memref<819200xi32, #tpu.memory_space<hbm>>, %arg4: memref<819200x32xf32, #tpu.memory_space<hbm>>, %arg5: memref<25600xi32, #tpu.memory_space<vmem>>, %arg6: memref<8x128x32xf32, #tpu.memory_space<vmem>>, %arg7: memref<8x!tpu.dma_semaphore, #tpu.memory_space<semaphore_mem>>, %arg8: memref<8x!tpu.dma_semaphore, #tpu.memory_space<semaphore_mem>>) attributes {dimension_semantics = [#tpu.dimension_semantics<core_parallel>, #tpu.dimension_semantics<subcore_parallel>], iteration_bounds = array<i64: 2, 16>, scalar_prefetch = 0 : i64, scratch_operands = 4 : i64, tpu.core_type = #tpu.core_type<sc_vector_subcore>, window_params = [{transform_indices = #map}, {transform_indices = #map1}, {transform_indices = #map}]} {
    %mul3A = arith.constant 2 : i32
    %mul3A_0 = arith.muli %arg1, %mul3A : i32
    %add3A = arith.addi %mul3A_0, %arg0 : i32
    %mul3A_1 = arith.constant 25600 : i32
    %mul3A_2 = arith.muli %add3A, %mul3A_1 : i32
    "tpu.region"() ({
      %run_scoped3A = tpu.sem_alloc : memref<!tpu.dma_semaphore, #tpu.memory_space<semaphore_mem>>
      %dma_start3A_118 = tpu.memref_slice %arg3[%mul3A_2] : memref<819200xi32, #tpu.memory_space<hbm>> -> memref<25600xi32, #tpu.memory_space<hbm>>
      %dma_start3A_119 = tpu.memref_slice %arg3[%mul3A_2] : memref<819200xi32, #tpu.memory_space<hbm>> -> memref<25600xi32, #tpu.memory_space<hbm>>
      tpu.enqueue_dma source(%dma_start3A_119 : memref<25600xi32, #tpu.memory_space<hbm>>) target(%arg5 : memref<25600xi32, #tpu.memory_space<vmem>>) target_semaphore(%run_scoped3A : memref<!tpu.dma_semaphore, #tpu.memory_space<semaphore_mem>>)
      %dma_wait3A = tpu.memref_slice %arg3[%mul3A_2] : memref<819200xi32, #tpu.memory_space<hbm>> -> memref<25600xi32, #tpu.memory_space<hbm>>
      %dma_wait3A_120 = tpu.memref_slice %arg3[%mul3A_2] : memref<819200xi32, #tpu.memory_space<hbm>> -> memref<25600xi32, #tpu.memory_space<hbm>>
      tpu.wait_dma2 semaphore(%run_scoped3A : memref<!tpu.dma_semaphore, #tpu.memory_space<semaphore_mem>>) src(%dma_wait3A_120 : memref<25600xi32, #tpu.memory_space<hbm>>) dst(%arg5 : memref<25600xi32, #tpu.memory_space<vmem>>)
      tpu.yield
    }) : () -> ()
    %multiple_of3A = arith.constant 0 : i32
    %multiple_of3A_3 = tpu.assume_multiple %multiple_of3A, 8 : i32
    %dma_start3A = arith.constant 0 : i32
    %dma_start3A_4 = arith.constant 0 : i32
    %dma_start3A_5 = arith.constant 0 : i32
    %dma_start3A_6 = arith.constant 0 : i32
    %dma_start3A_7 = tpu.memref_slice %arg6[%dma_start3A, %dma_start3A_5, %dma_start3A_6] : memref<8x128x32xf32, #tpu.memory_space<vmem>> -> memref<1x128x32xf32, #tpu.memory_space<vmem>>
    %dma_start3A_8 = tpu.memref_squeeze %dma_start3A_7 : memref<1x128x32xf32, #tpu.memory_space<vmem>> -> memref<128x32xf32, #tpu.memory_space<vmem>>
    %dma_start3A_9 = tpu.memref_slice %arg5[%multiple_of3A_3] : memref<25600xi32, #tpu.memory_space<vmem>> -> memref<128xi32, #tpu.memory_space<vmem>>
    %dma_start3A_10 = arith.constant 0 : i32
    %dma_start3A_11 = arith.constant 0 : i32
    %dma_start3A_12 = tpu.memref_slice %arg2[%dma_start3A_10, %dma_start3A_11] : memref<100000x32xf32, #tpu.memory_space<hbm>> -> memref<100000x32xf32, #tpu.memory_space<hbm>>
    %dma_start3A_13 = tpu.memref_slice %arg7[%dma_start3A_4] : memref<8x!tpu.dma_semaphore, #tpu.memory_space<semaphore_mem>> -> memref<1x!tpu.dma_semaphore, #tpu.memory_space<semaphore_mem>>
    %dma_start3A_14 = tpu.memref_squeeze %dma_start3A_13 : memref<1x!tpu.dma_semaphore, #tpu.memory_space<semaphore_mem>> -> memref<!tpu.dma_semaphore, #tpu.memory_space<semaphore_mem>>
    tpu.enqueue_indirect_dma source(%dma_start3A_12 : memref<100000x32xf32, #tpu.memory_space<hbm>>) target(%dma_start3A_8 : memref<128x32xf32, #tpu.memory_space<vmem>>) offsets(%dma_start3A_9 : memref<128xi32, #tpu.memory_space<vmem>>) semaphore(%dma_start3A_14 : memref<!tpu.dma_semaphore, #tpu.memory_space<semaphore_mem>>)
    %multiple_of3A_15 = arith.constant 128 : i32
    %multiple_of3A_16 = tpu.assume_multiple %multiple_of3A_15, 8 : i32
    %dma_start3A_17 = arith.constant 1 : i32
    %dma_start3A_18 = arith.constant 1 : i32
    %dma_start3A_19 = arith.constant 0 : i32
    %dma_start3A_20 = arith.constant 0 : i32
    %dma_start3A_21 = tpu.memref_slice %arg6[%dma_start3A_17, %dma_start3A_19, %dma_start3A_20] : memref<8x128x32xf32, #tpu.memory_space<vmem>> -> memref<1x128x32xf32, #tpu.memory_space<vmem>>
    %dma_start3A_22 = tpu.memref_squeeze %dma_start3A_21 : memref<1x128x32xf32, #tpu.memory_space<vmem>> -> memref<128x32xf32, #tpu.memory_space<vmem>>
    %dma_start3A_23 = tpu.memref_slice %arg5[%multiple_of3A_16] : memref<25600xi32, #tpu.memory_space<vmem>> -> memref<128xi32, #tpu.memory_space<vmem>>
    %dma_start3A_24 = arith.constant 0 : i32
    %dma_start3A_25 = arith.constant 0 : i32
    %dma_start3A_26 = tpu.memref_slice %arg2[%dma_start3A_24, %dma_start3A_25] : memref<100000x32xf32, #tpu.memory_space<hbm>> -> memref<100000x32xf32, #tpu.memory_space<hbm>>
    %dma_start3A_27 = tpu.memref_slice %arg7[%dma_start3A_18] : memref<8x!tpu.dma_semaphore, #tpu.memory_space<semaphore_mem>> -> memref<1x!tpu.dma_semaphore, #tpu.memory_space<semaphore_mem>>
    %dma_start3A_28 = tpu.memref_squeeze %dma_start3A_27 : memref<1x!tpu.dma_semaphore, #tpu.memory_space<semaphore_mem>> -> memref<!tpu.dma_semaphore, #tpu.memory_space<semaphore_mem>>
    tpu.enqueue_indirect_dma source(%dma_start3A_26 : memref<100000x32xf32, #tpu.memory_space<hbm>>) target(%dma_start3A_22 : memref<128x32xf32, #tpu.memory_space<vmem>>) offsets(%dma_start3A_23 : memref<128xi32, #tpu.memory_space<vmem>>) semaphore(%dma_start3A_28 : memref<!tpu.dma_semaphore, #tpu.memory_space<semaphore_mem>>)
    %multiple_of3A_29 = arith.constant 256 : i32
    %multiple_of3A_30 = tpu.assume_multiple %multiple_of3A_29, 8 : i32
    %dma_start3A_31 = arith.constant 2 : i32
    %dma_start3A_32 = arith.constant 2 : i32
    %dma_start3A_33 = arith.constant 0 : i32
    %dma_start3A_34 = arith.constant 0 : i32
    %dma_start3A_35 = tpu.memref_slice %arg6[%dma_start3A_31, %dma_start3A_33, %dma_start3A_34] : memref<8x128x32xf32, #tpu.memory_space<vmem>> -> memref<1x128x32xf32, #tpu.memory_space<vmem>>
    %dma_start3A_36 = tpu.memref_squeeze %dma_start3A_35 : memref<1x128x32xf32, #tpu.memory_space<vmem>> -> memref<128x32xf32, #tpu.memory_space<vmem>>
    %dma_start3A_37 = tpu.memref_slice %arg5[%multiple_of3A_30] : memref<25600xi32, #tpu.memory_space<vmem>> -> memref<128xi32, #tpu.memory_space<vmem>>
    %dma_start3A_38 = arith.constant 0 : i32
    %dma_start3A_39 = arith.constant 0 : i32
    %dma_start3A_40 = tpu.memref_slice %arg2[%dma_start3A_38, %dma_start3A_39] : memref<100000x32xf32, #tpu.memory_space<hbm>> -> memref<100000x32xf32, #tpu.memory_space<hbm>>
    %dma_start3A_41 = tpu.memref_slice %arg7[%dma_start3A_32] : memref<8x!tpu.dma_semaphore, #tpu.memory_space<semaphore_mem>> -> memref<1x!tpu.dma_semaphore, #tpu.memory_space<semaphore_mem>>
    %dma_start3A_42 = tpu.memref_squeeze %dma_start3A_41 : memref<1x!tpu.dma_semaphore, #tpu.memory_space<semaphore_mem>> -> memref<!tpu.dma_semaphore, #tpu.memory_space<semaphore_mem>>
    tpu.enqueue_indirect_dma source(%dma_start3A_40 : memref<100000x32xf32, #tpu.memory_space<hbm>>) target(%dma_start3A_36 : memref<128x32xf32, #tpu.memory_space<vmem>>) offsets(%dma_start3A_37 : memref<128xi32, #tpu.memory_space<vmem>>) semaphore(%dma_start3A_42 : memref<!tpu.dma_semaphore, #tpu.memory_space<semaphore_mem>>)
    %multiple_of3A_43 = arith.constant 384 : i32
    %multiple_of3A_44 = tpu.assume_multiple %multiple_of3A_43, 8 : i32
    %dma_start3A_45 = arith.constant 3 : i32
    %dma_start3A_46 = arith.constant 3 : i32
    %dma_start3A_47 = arith.constant 0 : i32
    %dma_start3A_48 = arith.constant 0 : i32
    %dma_start3A_49 = tpu.memref_slice %arg6[%dma_start3A_45, %dma_start3A_47, %dma_start3A_48] : memref<8x128x32xf32, #tpu.memory_space<vmem>> -> memref<1x128x32xf32, #tpu.memory_space<vmem>>
    %dma_start3A_50 = tpu.memref_squeeze %dma_start3A_49 : memref<1x128x32xf32, #tpu.memory_space<vmem>> -> memref<128x32xf32, #tpu.memory_space<vmem>>
    %dma_start3A_51 = tpu.memref_slice %arg5[%multiple_of3A_44] : memref<25600xi32, #tpu.memory_space<vmem>> -> memref<128xi32, #tpu.memory_space<vmem>>
    %dma_start3A_52 = arith.constant 0 : i32
    %dma_start3A_53 = arith.constant 0 : i32
    %dma_start3A_54 = tpu.memref_slice %arg2[%dma_start3A_52, %dma_start3A_53] : memref<100000x32xf32, #tpu.memory_space<hbm>> -> memref<100000x32xf32, #tpu.memory_space<hbm>>
    %dma_start3A_55 = tpu.memref_slice %arg7[%dma_start3A_46] : memref<8x!tpu.dma_semaphore, #tpu.memory_space<semaphore_mem>> -> memref<1x!tpu.dma_semaphore, #tpu.memory_space<semaphore_mem>>
    %dma_start3A_56 = tpu.memref_squeeze %dma_start3A_55 : memref<1x!tpu.dma_semaphore, #tpu.memory_space<semaphore_mem>> -> memref<!tpu.dma_semaphore, #tpu.memory_space<semaphore_mem>>
    tpu.enqueue_indirect_dma source(%dma_start3A_54 : memref<100000x32xf32, #tpu.memory_space<hbm>>) target(%dma_start3A_50 : memref<128x32xf32, #tpu.memory_space<vmem>>) offsets(%dma_start3A_51 : memref<128xi32, #tpu.memory_space<vmem>>) semaphore(%dma_start3A_56 : memref<!tpu.dma_semaphore, #tpu.memory_space<semaphore_mem>>)
    %multiple_of3A_57 = arith.constant 512 : i32
    %multiple_of3A_58 = tpu.assume_multiple %multiple_of3A_57, 8 : i32
    %dma_start3A_59 = arith.constant 4 : i32
    %dma_start3A_60 = arith.constant 4 : i32
    %dma_start3A_61 = arith.constant 0 : i32
    %dma_start3A_62 = arith.constant 0 : i32
    %dma_start3A_63 = tpu.memref_slice %arg6[%dma_start3A_59, %dma_start3A_61, %dma_start3A_62] : memref<8x128x32xf32, #tpu.memory_space<vmem>> -> memref<1x128x32xf32, #tpu.memory_space<vmem>>
    %dma_start3A_64 = tpu.memref_squeeze %dma_start3A_63 : memref<1x128x32xf32, #tpu.memory_space<vmem>> -> memref<128x32xf32, #tpu.memory_space<vmem>>
    %dma_start3A_65 = tpu.memref_slice %arg5[%multiple_of3A_58] : memref<25600xi32, #tpu.memory_space<vmem>> -> memref<128xi32, #tpu.memory_space<vmem>>
    %dma_start3A_66 = arith.constant 0 : i32
    %dma_start3A_67 = arith.constant 0 : i32
    %dma_start3A_68 = tpu.memref_slice %arg2[%dma_start3A_66, %dma_start3A_67] : memref<100000x32xf32, #tpu.memory_space<hbm>> -> memref<100000x32xf32, #tpu.memory_space<hbm>>
    %dma_start3A_69 = tpu.memref_slice %arg7[%dma_start3A_60] : memref<8x!tpu.dma_semaphore, #tpu.memory_space<semaphore_mem>> -> memref<1x!tpu.dma_semaphore, #tpu.memory_space<semaphore_mem>>
    %dma_start3A_70 = tpu.memref_squeeze %dma_start3A_69 : memref<1x!tpu.dma_semaphore, #tpu.memory_space<semaphore_mem>> -> memref<!tpu.dma_semaphore, #tpu.memory_space<semaphore_mem>>
    tpu.enqueue_indirect_dma source(%dma_start3A_68 : memref<100000x32xf32, #tpu.memory_space<hbm>>) target(%dma_start3A_64 : memref<128x32xf32, #tpu.memory_space<vmem>>) offsets(%dma_start3A_65 : memref<128xi32, #tpu.memory_space<vmem>>) semaphore(%dma_start3A_70 : memref<!tpu.dma_semaphore, #tpu.memory_space<semaphore_mem>>)
    %multiple_of3A_71 = arith.constant 640 : i32
    %multiple_of3A_72 = tpu.assume_multiple %multiple_of3A_71, 8 : i32
    %dma_start3A_73 = arith.constant 5 : i32
    %dma_start3A_74 = arith.constant 5 : i32
    %dma_start3A_75 = arith.constant 0 : i32
    %dma_start3A_76 = arith.constant 0 : i32
    %dma_start3A_77 = tpu.memref_slice %arg6[%dma_start3A_73, %dma_start3A_75, %dma_start3A_76] : memref<8x128x32xf32, #tpu.memory_space<vmem>> -> memref<1x128x32xf32, #tpu.memory_space<vmem>>
    %dma_start3A_78 = tpu.memref_squeeze %dma_start3A_77 : memref<1x128x32xf32, #tpu.memory_space<vmem>> -> memref<128x32xf32, #tpu.memory_space<vmem>>
    %dma_start3A_79 = tpu.memref_slice %arg5[%multiple_of3A_72] : memref<25600xi32, #tpu.memory_space<vmem>> -> memref<128xi32, #tpu.memory_space<vmem>>
    %dma_start3A_80 = arith.constant 0 : i32
    %dma_start3A_81 = arith.constant 0 : i32
    %dma_start3A_82 = tpu.memref_slice %arg2[%dma_start3A_80, %dma_start3A_81] : memref<100000x32xf32, #tpu.memory_space<hbm>> -> memref<100000x32xf32, #tpu.memory_space<hbm>>
    %dma_start3A_83 = tpu.memref_slice %arg7[%dma_start3A_74] : memref<8x!tpu.dma_semaphore, #tpu.memory_space<semaphore_mem>> -> memref<1x!tpu.dma_semaphore, #tpu.memory_space<semaphore_mem>>
    %dma_start3A_84 = tpu.memref_squeeze %dma_start3A_83 : memref<1x!tpu.dma_semaphore, #tpu.memory_space<semaphore_mem>> -> memref<!tpu.dma_semaphore, #tpu.memory_space<semaphore_mem>>
    tpu.enqueue_indirect_dma source(%dma_start3A_82 : memref<100000x32xf32, #tpu.memory_space<hbm>>) target(%dma_start3A_78 : memref<128x32xf32, #tpu.memory_space<vmem>>) offsets(%dma_start3A_79 : memref<128xi32, #tpu.memory_space<vmem>>) semaphore(%dma_start3A_84 : memref<!tpu.dma_semaphore, #tpu.memory_space<semaphore_mem>>)
    %multiple_of3A_85 = arith.constant 768 : i32
    %multiple_of3A_86 = tpu.assume_multiple %multiple_of3A_85, 8 : i32
    %dma_start3A_87 = arith.constant 6 : i32
    %dma_start3A_88 = arith.constant 6 : i32
    %dma_start3A_89 = arith.constant 0 : i32
    %dma_start3A_90 = arith.constant 0 : i32
    %dma_start3A_91 = tpu.memref_slice %arg6[%dma_start3A_87, %dma_start3A_89, %dma_start3A_90] : memref<8x128x32xf32, #tpu.memory_space<vmem>> -> memref<1x128x32xf32, #tpu.memory_space<vmem>>
    %dma_start3A_92 = tpu.memref_squeeze %dma_start3A_91 : memref<1x128x32xf32, #tpu.memory_space<vmem>> -> memref<128x32xf32, #tpu.memory_space<vmem>>
    %dma_start3A_93 = tpu.memref_slice %arg5[%multiple_of3A_86] : memref<25600xi32, #tpu.memory_space<vmem>> -> memref<128xi32, #tpu.memory_space<vmem>>
    %dma_start3A_94 = arith.constant 0 : i32
    %dma_start3A_95 = arith.constant 0 : i32
    %dma_start3A_96 = tpu.memref_slice %arg2[%dma_start3A_94, %dma_start3A_95] : memref<100000x32xf32, #tpu.memory_space<hbm>> -> memref<100000x32xf32, #tpu.memory_space<hbm>>
    %dma_start3A_97 = tpu.memref_slice %arg7[%dma_start3A_88] : memref<8x!tpu.dma_semaphore, #tpu.memory_space<semaphore_mem>> -> memref<1x!tpu.dma_semaphore, #tpu.memory_space<semaphore_mem>>
    %dma_start3A_98 = tpu.memref_squeeze %dma_start3A_97 : memref<1x!tpu.dma_semaphore, #tpu.memory_space<semaphore_mem>> -> memref<!tpu.dma_semaphore, #tpu.memory_space<semaphore_mem>>
    tpu.enqueue_indirect_dma source(%dma_start3A_96 : memref<100000x32xf32, #tpu.memory_space<hbm>>) target(%dma_start3A_92 : memref<128x32xf32, #tpu.memory_space<vmem>>) offsets(%dma_start3A_93 : memref<128xi32, #tpu.memory_space<vmem>>) semaphore(%dma_start3A_98 : memref<!tpu.dma_semaphore, #tpu.memory_space<semaphore_mem>>)
    %multiple_of3A_99 = arith.constant 896 : i32
    %multiple_of3A_100 = tpu.assume_multiple %multiple_of3A_99, 8 : i32
    %dma_start3A_101 = arith.constant 7 : i32
    %dma_start3A_102 = arith.constant 7 : i32
    %dma_start3A_103 = arith.constant 0 : i32
    %dma_start3A_104 = arith.constant 0 : i32
    %dma_start3A_105 = tpu.memref_slice %arg6[%dma_start3A_101, %dma_start3A_103, %dma_start3A_104] : memref<8x128x32xf32, #tpu.memory_space<vmem>> -> memref<1x128x32xf32, #tpu.memory_space<vmem>>
    %dma_start3A_106 = tpu.memref_squeeze %dma_start3A_105 : memref<1x128x32xf32, #tpu.memory_space<vmem>> -> memref<128x32xf32, #tpu.memory_space<vmem>>
    %dma_start3A_107 = tpu.memref_slice %arg5[%multiple_of3A_100] : memref<25600xi32, #tpu.memory_space<vmem>> -> memref<128xi32, #tpu.memory_space<vmem>>
    %dma_start3A_108 = arith.constant 0 : i32
    %dma_start3A_109 = arith.constant 0 : i32
    %dma_start3A_110 = tpu.memref_slice %arg2[%dma_start3A_108, %dma_start3A_109] : memref<100000x32xf32, #tpu.memory_space<hbm>> -> memref<100000x32xf32, #tpu.memory_space<hbm>>
    %dma_start3A_111 = tpu.memref_slice %arg7[%dma_start3A_102] : memref<8x!tpu.dma_semaphore, #tpu.memory_space<semaphore_mem>> -> memref<1x!tpu.dma_semaphore, #tpu.memory_space<semaphore_mem>>
    %dma_start3A_112 = tpu.memref_squeeze %dma_start3A_111 : memref<1x!tpu.dma_semaphore, #tpu.memory_space<semaphore_mem>> -> memref<!tpu.dma_semaphore, #tpu.memory_space<semaphore_mem>>
    tpu.enqueue_indirect_dma source(%dma_start3A_110 : memref<100000x32xf32, #tpu.memory_space<hbm>>) target(%dma_start3A_106 : memref<128x32xf32, #tpu.memory_space<vmem>>) offsets(%dma_start3A_107 : memref<128xi32, #tpu.memory_space<vmem>>) semaphore(%dma_start3A_112 : memref<!tpu.dma_semaphore, #tpu.memory_space<semaphore_mem>>)
    %scan3A = arith.constant 0 : i32
    %scan3A_113 = arith.constant 0 : i32
    %scan3A_114 = arith.constant 25 : i32
    %scan3A_115 = arith.addi %scan3A_113, %scan3A_114 : i32
    %scan3A_116 = arith.constant 1 : i32
    scf.for %scan3A_118 = %scan3A_113 to %scan3A_115 step %scan3A_116  : i32 {
      %mul3A_119 = arith.constant 8 : i32
      %mul3A_120 = arith.muli %scan3A_118, %mul3A_119 : i32
      %add3A_121 = arith.constant 0 : i32
      %add3A_122 = arith.addi %mul3A_120, %add3A_121 : i32
      %mul3A_123 = arith.constant 128 : i32
      %mul3A_124 = arith.muli %add3A_122, %mul3A_123 : i32
      %multiple_of3A_125 = tpu.assume_multiple %mul3A_124, 8 : i32
      %dma_wait3A = arith.constant 0 : i32
      %dma_wait3A_126 = arith.constant 0 : i32
      %dma_wait3A_127 = arith.constant 0 : i32
      %dma_wait3A_128 = arith.constant 0 : i32
      %dma_wait3A_129 = tpu.memref_slice %arg6[%dma_wait3A, %dma_wait3A_127, %dma_wait3A_128] : memref<8x128x32xf32, #tpu.memory_space<vmem>> -> memref<1x128x32xf32, #tpu.memory_space<vmem>>
      %dma_wait3A_130 = tpu.memref_squeeze %dma_wait3A_129 : memref<1x128x32xf32, #tpu.memory_space<vmem>> -> memref<128x32xf32, #tpu.memory_space<vmem>>
      %dma_wait3A_131 = tpu.memref_slice %arg5[%multiple_of3A_125] : memref<25600xi32, #tpu.memory_space<vmem>> -> memref<128xi32, #tpu.memory_space<vmem>>
      %dma_wait3A_132 = arith.constant 0 : i32
      %dma_wait3A_133 = arith.constant 0 : i32
      %dma_wait3A_134 = tpu.memref_slice %arg2[%dma_wait3A_132, %dma_wait3A_133] : memref<100000x32xf32, #tpu.memory_space<hbm>> -> memref<100000x32xf32, #tpu.memory_space<hbm>>
      %dma_wait3A_135 = tpu.memref_slice %arg7[%dma_wait3A_126] : memref<8x!tpu.dma_semaphore, #tpu.memory_space<semaphore_mem>> -> memref<1x!tpu.dma_semaphore, #tpu.memory_space<semaphore_mem>>
      %dma_wait3A_136 = tpu.memref_squeeze %dma_wait3A_135 : memref<1x!tpu.dma_semaphore, #tpu.memory_space<semaphore_mem>> -> memref<!tpu.dma_semaphore, #tpu.memory_space<semaphore_mem>>
      tpu.wait_indirect_dma semaphore(%dma_wait3A_136 : memref<!tpu.dma_semaphore, #tpu.memory_space<semaphore_mem>>) src(%dma_wait3A_134 : memref<100000x32xf32, #tpu.memory_space<hbm>>) dst(%dma_wait3A_130 : memref<128x32xf32, #tpu.memory_space<vmem>>)
      %mul3A_137 = arith.constant 128 : i32
      %mul3A_138 = arith.muli %add3A_122, %mul3A_137 : i32
      %multiple_of3A_139 = tpu.assume_multiple %mul3A_138, 8 : i32
      %add3A_140 = arith.addi %mul3A_2, %multiple_of3A_139 : i32
      %dma_start3A_141 = arith.constant 0 : i32
      %dma_start3A_142 = arith.constant 0 : i32
      %dma_start3A_143 = arith.constant 0 : i32
      %dma_start3A_144 = arith.constant 0 : i32
      %dma_start3A_145 = tpu.memref_slice %arg6[%dma_start3A_141, %dma_start3A_143, %dma_start3A_144] : memref<8x128x32xf32, #tpu.memory_space<vmem>> -> memref<1x128x32xf32, #tpu.memory_space<vmem>>
      %dma_start3A_146 = tpu.memref_squeeze %dma_start3A_145 : memref<1x128x32xf32, #tpu.memory_space<vmem>> -> memref<128x32xf32, #tpu.memory_space<vmem>>
      %dma_start3A_147 = arith.constant 0 : i32
      %dma_start3A_148 = tpu.memref_slice %arg4[%add3A_140, %dma_start3A_147] : memref<819200x32xf32, #tpu.memory_space<hbm>> -> memref<128x32xf32, #tpu.memory_space<hbm>>
      %dma_start3A_149 = tpu.memref_slice %arg8[%dma_start3A_142] : memref<8x!tpu.dma_semaphore, #tpu.memory_space<semaphore_mem>> -> memref<1x!tpu.dma_semaphore, #tpu.memory_space<semaphore_mem>>
      %dma_start3A_150 = tpu.memref_squeeze %dma_start3A_149 : memref<1x!tpu.dma_semaphore, #tpu.memory_space<semaphore_mem>> -> memref<!tpu.dma_semaphore, #tpu.memory_space<semaphore_mem>>
      %dma_start3A_151 = arith.constant 0 : i32
      %dma_start3A_152 = tpu.memref_slice %arg4[%add3A_140, %dma_start3A_151] : memref<819200x32xf32, #tpu.memory_space<hbm>> -> memref<128x32xf32, #tpu.memory_space<hbm>>
      %dma_start3A_153 = arith.constant 0 : i32
      %dma_start3A_154 = arith.constant 0 : i32
      %dma_start3A_155 = tpu.memref_slice %arg6[%dma_start3A_141, %dma_start3A_153, %dma_start3A_154] : memref<8x128x32xf32, #tpu.memory_space<vmem>> -> memref<1x128x32xf32, #tpu.memory_space<vmem>>
      %dma_start3A_156 = tpu.memref_squeeze %dma_start3A_155 : memref<1x128x32xf32, #tpu.memory_space<vmem>> -> memref<128x32xf32, #tpu.memory_space<vmem>>
      tpu.enqueue_dma source(%dma_start3A_156 : memref<128x32xf32, #tpu.memory_space<vmem>>) target(%dma_start3A_152 : memref<128x32xf32, #tpu.memory_space<hbm>>) target_semaphore(%dma_start3A_150 : memref<!tpu.dma_semaphore, #tpu.memory_space<semaphore_mem>>)
      %mul3A_157 = arith.constant 128 : i32
      %mul3A_158 = arith.muli %add3A_122, %mul3A_157 : i32
      %multiple_of3A_159 = tpu.assume_multiple %mul3A_158, 8 : i32
      %add3A_160 = arith.addi %mul3A_2, %multiple_of3A_159 : i32
      %dma_wait3A_161 = arith.constant 0 : i32
      %dma_wait3A_162 = arith.constant 0 : i32
      %dma_wait3A_163 = arith.constant 0 : i32
      %dma_wait3A_164 = arith.constant 0 : i32
      %dma_wait3A_165 = tpu.memref_slice %arg6[%dma_wait3A_161, %dma_wait3A_163, %dma_wait3A_164] : memref<8x128x32xf32, #tpu.memory_space<vmem>> -> memref<1x128x32xf32, #tpu.memory_space<vmem>>
      %dma_wait3A_166 = tpu.memref_squeeze %dma_wait3A_165 : memref<1x128x32xf32, #tpu.memory_space<vmem>> -> memref<128x32xf32, #tpu.memory_space<vmem>>
      %dma_wait3A_167 = arith.constant 0 : i32
      %dma_wait3A_168 = tpu.memref_slice %arg4[%add3A_160, %dma_wait3A_167] : memref<819200x32xf32, #tpu.memory_space<hbm>> -> memref<128x32xf32, #tpu.memory_space<hbm>>
      %dma_wait3A_169 = tpu.memref_slice %arg8[%dma_wait3A_162] : memref<8x!tpu.dma_semaphore, #tpu.memory_space<semaphore_mem>> -> memref<1x!tpu.dma_semaphore, #tpu.memory_space<semaphore_mem>>
      %dma_wait3A_170 = tpu.memref_squeeze %dma_wait3A_169 : memref<1x!tpu.dma_semaphore, #tpu.memory_space<semaphore_mem>> -> memref<!tpu.dma_semaphore, #tpu.memory_space<semaphore_mem>>
      %dma_wait3A_171 = arith.constant 0 : i32
      %dma_wait3A_172 = tpu.memref_slice %arg4[%add3A_160, %dma_wait3A_171] : memref<819200x32xf32, #tpu.memory_space<hbm>> -> memref<128x32xf32, #tpu.memory_space<hbm>>
      %dma_wait3A_173 = arith.constant 0 : i32
      %dma_wait3A_174 = arith.constant 0 : i32
      %dma_wait3A_175 = tpu.memref_slice %arg6[%dma_wait3A_161, %dma_wait3A_173, %dma_wait3A_174] : memref<8x128x32xf32, #tpu.memory_space<vmem>> -> memref<1x128x32xf32, #tpu.memory_space<vmem>>
      %dma_wait3A_176 = tpu.memref_squeeze %dma_wait3A_175 : memref<1x128x32xf32, #tpu.memory_space<vmem>> -> memref<128x32xf32, #tpu.memory_space<vmem>>
      tpu.wait_dma2 semaphore(%dma_wait3A_170 : memref<!tpu.dma_semaphore, #tpu.memory_space<semaphore_mem>>) src(%dma_wait3A_176 : memref<128x32xf32, #tpu.memory_space<vmem>>) dst(%dma_wait3A_172 : memref<128x32xf32, #tpu.memory_space<hbm>>)
      %lt3A = arith.constant 24 : i32
      %lt3A_177 = arith.cmpi slt, %scan3A_118, %lt3A : i32
      %convert_element_type3A = arith.extui %lt3A_177 : i1 to i32
      %cond3A = arith.constant 0 : i32
      %cond3A_178 = arith.cmpi ne, %convert_element_type3A, %cond3A : i32
      scf.if %cond3A_178 {
        %add3A_627 = arith.constant 8 : i32
        %add3A_628 = arith.addi %add3A_122, %add3A_627 : i32
        %mul3A_629 = arith.constant 128 : i32
        %mul3A_630 = arith.muli %add3A_628, %mul3A_629 : i32
        %multiple_of3A_631 = tpu.assume_multiple %mul3A_630, 8 : i32
        %dma_start3A_632 = arith.constant 0 : i32
        %dma_start3A_633 = arith.constant 0 : i32
        %dma_start3A_634 = arith.constant 0 : i32
        %dma_start3A_635 = arith.constant 0 : i32
        %dma_start3A_636 = tpu.memref_slice %arg6[%dma_start3A_632, %dma_start3A_634, %dma_start3A_635] : memref<8x128x32xf32, #tpu.memory_space<vmem>> -> memref<1x128x32xf32, #tpu.memory_space<vmem>>
        %dma_start3A_637 = tpu.memref_squeeze %dma_start3A_636 : memref<1x128x32xf32, #tpu.memory_space<vmem>> -> memref<128x32xf32, #tpu.memory_space<vmem>>
        %dma_start3A_638 = tpu.memref_slice %arg5[%multiple_of3A_631] : memref<25600xi32, #tpu.memory_space<vmem>> -> memref<128xi32, #tpu.memory_space<vmem>>
        %dma_start3A_639 = arith.constant 0 : i32
        %dma_start3A_640 = arith.constant 0 : i32
        %dma_start3A_641 = tpu.memref_slice %arg2[%dma_start3A_639, %dma_start3A_640] : memref<100000x32xf32, #tpu.memory_space<hbm>> -> memref<100000x32xf32, #tpu.memory_space<hbm>>
        %dma_start3A_642 = tpu.memref_slice %arg7[%dma_start3A_633] : memref<8x!tpu.dma_semaphore, #tpu.memory_space<semaphore_mem>> -> memref<1x!tpu.dma_semaphore, #tpu.memory_space<semaphore_mem>>
        %dma_start3A_643 = tpu.memref_squeeze %dma_start3A_642 : memref<1x!tpu.dma_semaphore, #tpu.memory_space<semaphore_mem>> -> memref<!tpu.dma_semaphore, #tpu.memory_space<semaphore_mem>>
        tpu.enqueue_indirect_dma source(%dma_start3A_641 : memref<100000x32xf32, #tpu.memory_space<hbm>>) target(%dma_start3A_637 : memref<128x32xf32, #tpu.memory_space<vmem>>) offsets(%dma_start3A_638 : memref<128xi32, #tpu.memory_space<vmem>>) semaphore(%dma_start3A_643 : memref<!tpu.dma_semaphore, #tpu.memory_space<semaphore_mem>>)
      } else {
      }
      %mul3A_179 = arith.constant 8 : i32
      %mul3A_180 = arith.muli %scan3A_118, %mul3A_179 : i32
      %add3A_181 = arith.constant 1 : i32
      %add3A_182 = arith.addi %mul3A_180, %add3A_181 : i32
      %mul3A_183 = arith.constant 128 : i32
      %mul3A_184 = arith.muli %add3A_182, %mul3A_183 : i32
      %multiple_of3A_185 = tpu.assume_multiple %mul3A_184, 8 : i32
      %dma_wait3A_186 = arith.constant 1 : i32
      %dma_wait3A_187 = arith.constant 1 : i32
      %dma_wait3A_188 = arith.constant 0 : i32
      %dma_wait3A_189 = arith.constant 0 : i32
      %dma_wait3A_190 = tpu.memref_slice %arg6[%dma_wait3A_186, %dma_wait3A_188, %dma_wait3A_189] : memref<8x128x32xf32, #tpu.memory_space<vmem>> -> memref<1x128x32xf32, #tpu.memory_space<vmem>>
      %dma_wait3A_191 = tpu.memref_squeeze %dma_wait3A_190 : memref<1x128x32xf32, #tpu.memory_space<vmem>> -> memref<128x32xf32, #tpu.memory_space<vmem>>
      %dma_wait3A_192 = tpu.memref_slice %arg5[%multiple_of3A_185] : memref<25600xi32, #tpu.memory_space<vmem>> -> memref<128xi32, #tpu.memory_space<vmem>>
      %dma_wait3A_193 = arith.constant 0 : i32
      %dma_wait3A_194 = arith.constant 0 : i32
      %dma_wait3A_195 = tpu.memref_slice %arg2[%dma_wait3A_193, %dma_wait3A_194] : memref<100000x32xf32, #tpu.memory_space<hbm>> -> memref<100000x32xf32, #tpu.memory_space<hbm>>
      %dma_wait3A_196 = tpu.memref_slice %arg7[%dma_wait3A_187] : memref<8x!tpu.dma_semaphore, #tpu.memory_space<semaphore_mem>> -> memref<1x!tpu.dma_semaphore, #tpu.memory_space<semaphore_mem>>
      %dma_wait3A_197 = tpu.memref_squeeze %dma_wait3A_196 : memref<1x!tpu.dma_semaphore, #tpu.memory_space<semaphore_mem>> -> memref<!tpu.dma_semaphore, #tpu.memory_space<semaphore_mem>>
      tpu.wait_indirect_dma semaphore(%dma_wait3A_197 : memref<!tpu.dma_semaphore, #tpu.memory_space<semaphore_mem>>) src(%dma_wait3A_195 : memref<100000x32xf32, #tpu.memory_space<hbm>>) dst(%dma_wait3A_191 : memref<128x32xf32, #tpu.memory_space<vmem>>)
      %mul3A_198 = arith.constant 128 : i32
      %mul3A_199 = arith.muli %add3A_182, %mul3A_198 : i32
      %multiple_of3A_200 = tpu.assume_multiple %mul3A_199, 8 : i32
      %add3A_201 = arith.addi %mul3A_2, %multiple_of3A_200 : i32
      %dma_start3A_202 = arith.constant 1 : i32
      %dma_start3A_203 = arith.constant 1 : i32
      %dma_start3A_204 = arith.constant 0 : i32
      %dma_start3A_205 = arith.constant 0 : i32
      %dma_start3A_206 = tpu.memref_slice %arg6[%dma_start3A_202, %dma_start3A_204, %dma_start3A_205] : memref<8x128x32xf32, #tpu.memory_space<vmem>> -> memref<1x128x32xf32, #tpu.memory_space<vmem>>
      %dma_start3A_207 = tpu.memref_squeeze %dma_start3A_206 : memref<1x128x32xf32, #tpu.memory_space<vmem>> -> memref<128x32xf32, #tpu.memory_space<vmem>>
      %dma_start3A_208 = arith.constant 0 : i32
      %dma_start3A_209 = tpu.memref_slice %arg4[%add3A_201, %dma_start3A_208] : memref<819200x32xf32, #tpu.memory_space<hbm>> -> memref<128x32xf32, #tpu.memory_space<hbm>>
      %dma_start3A_210 = tpu.memref_slice %arg8[%dma_start3A_203] : memref<8x!tpu.dma_semaphore, #tpu.memory_space<semaphore_mem>> -> memref<1x!tpu.dma_semaphore, #tpu.memory_space<semaphore_mem>>
      %dma_start3A_211 = tpu.memref_squeeze %dma_start3A_210 : memref<1x!tpu.dma_semaphore, #tpu.memory_space<semaphore_mem>> -> memref<!tpu.dma_semaphore, #tpu.memory_space<semaphore_mem>>
      %dma_start3A_212 = arith.constant 0 : i32
      %dma_start3A_213 = tpu.memref_slice %arg4[%add3A_201, %dma_start3A_212] : memref<819200x32xf32, #tpu.memory_space<hbm>> -> memref<128x32xf32, #tpu.memory_space<hbm>>
      %dma_start3A_214 = arith.constant 0 : i32
      %dma_start3A_215 = arith.constant 0 : i32
      %dma_start3A_216 = tpu.memref_slice %arg6[%dma_start3A_202, %dma_start3A_214, %dma_start3A_215] : memref<8x128x32xf32, #tpu.memory_space<vmem>> -> memref<1x128x32xf32, #tpu.memory_space<vmem>>
      %dma_start3A_217 = tpu.memref_squeeze %dma_start3A_216 : memref<1x128x32xf32, #tpu.memory_space<vmem>> -> memref<128x32xf32, #tpu.memory_space<vmem>>
      tpu.enqueue_dma source(%dma_start3A_217 : memref<128x32xf32, #tpu.memory_space<vmem>>) target(%dma_start3A_213 : memref<128x32xf32, #tpu.memory_space<hbm>>) target_semaphore(%dma_start3A_211 : memref<!tpu.dma_semaphore, #tpu.memory_space<semaphore_mem>>)
      %mul3A_218 = arith.constant 128 : i32
      %mul3A_219 = arith.muli %add3A_182, %mul3A_218 : i32
      %multiple_of3A_220 = tpu.assume_multiple %mul3A_219, 8 : i32
      %add3A_221 = arith.addi %mul3A_2, %multiple_of3A_220 : i32
      %dma_wait3A_222 = arith.constant 1 : i32
      %dma_wait3A_223 = arith.constant 1 : i32
      %dma_wait3A_224 = arith.constant 0 : i32
      %dma_wait3A_225 = arith.constant 0 : i32
      %dma_wait3A_226 = tpu.memref_slice %arg6[%dma_wait3A_222, %dma_wait3A_224, %dma_wait3A_225] : memref<8x128x32xf32, #tpu.memory_space<vmem>> -> memref<1x128x32xf32, #tpu.memory_space<vmem>>
      %dma_wait3A_227 = tpu.memref_squeeze %dma_wait3A_226 : memref<1x128x32xf32, #tpu.memory_space<vmem>> -> memref<128x32xf32, #tpu.memory_space<vmem>>
      %dma_wait3A_228 = arith.constant 0 : i32
      %dma_wait3A_229 = tpu.memref_slice %arg4[%add3A_221, %dma_wait3A_228] : memref<819200x32xf32, #tpu.memory_space<hbm>> -> memref<128x32xf32, #tpu.memory_space<hbm>>
      %dma_wait3A_230 = tpu.memref_slice %arg8[%dma_wait3A_223] : memref<8x!tpu.dma_semaphore, #tpu.memory_space<semaphore_mem>> -> memref<1x!tpu.dma_semaphore, #tpu.memory_space<semaphore_mem>>
      %dma_wait3A_231 = tpu.memref_squeeze %dma_wait3A_230 : memref<1x!tpu.dma_semaphore, #tpu.memory_space<semaphore_mem>> -> memref<!tpu.dma_semaphore, #tpu.memory_space<semaphore_mem>>
      %dma_wait3A_232 = arith.constant 0 : i32
      %dma_wait3A_233 = tpu.memref_slice %arg4[%add3A_221, %dma_wait3A_232] : memref<819200x32xf32, #tpu.memory_space<hbm>> -> memref<128x32xf32, #tpu.memory_space<hbm>>
      %dma_wait3A_234 = arith.constant 0 : i32
      %dma_wait3A_235 = arith.constant 0 : i32
      %dma_wait3A_236 = tpu.memref_slice %arg6[%dma_wait3A_222, %dma_wait3A_234, %dma_wait3A_235] : memref<8x128x32xf32, #tpu.memory_space<vmem>> -> memref<1x128x32xf32, #tpu.memory_space<vmem>>
      %dma_wait3A_237 = tpu.memref_squeeze %dma_wait3A_236 : memref<1x128x32xf32, #tpu.memory_space<vmem>> -> memref<128x32xf32, #tpu.memory_space<vmem>>
      tpu.wait_dma2 semaphore(%dma_wait3A_231 : memref<!tpu.dma_semaphore, #tpu.memory_space<semaphore_mem>>) src(%dma_wait3A_237 : memref<128x32xf32, #tpu.memory_space<vmem>>) dst(%dma_wait3A_233 : memref<128x32xf32, #tpu.memory_space<hbm>>)
      %lt3A_238 = arith.constant 24 : i32
      %lt3A_239 = arith.cmpi slt, %scan3A_118, %lt3A_238 : i32
      %convert_element_type3A_240 = arith.extui %lt3A_239 : i1 to i32
      %cond3A_241 = arith.constant 0 : i32
      %cond3A_242 = arith.cmpi ne, %convert_element_type3A_240, %cond3A_241 : i32
      scf.if %cond3A_242 {
        %add3A_627 = arith.constant 8 : i32
        %add3A_628 = arith.addi %add3A_182, %add3A_627 : i32
        %mul3A_629 = arith.constant 128 : i32
        %mul3A_630 = arith.muli %add3A_628, %mul3A_629 : i32
        %multiple_of3A_631 = tpu.assume_multiple %mul3A_630, 8 : i32
        %dma_start3A_632 = arith.constant 1 : i32
        %dma_start3A_633 = arith.constant 1 : i32
        %dma_start3A_634 = arith.constant 0 : i32
        %dma_start3A_635 = arith.constant 0 : i32
        %dma_start3A_636 = tpu.memref_slice %arg6[%dma_start3A_632, %dma_start3A_634, %dma_start3A_635] : memref<8x128x32xf32, #tpu.memory_space<vmem>> -> memref<1x128x32xf32, #tpu.memory_space<vmem>>
        %dma_start3A_637 = tpu.memref_squeeze %dma_start3A_636 : memref<1x128x32xf32, #tpu.memory_space<vmem>> -> memref<128x32xf32, #tpu.memory_space<vmem>>
        %dma_start3A_638 = tpu.memref_slice %arg5[%multiple_of3A_631] : memref<25600xi32, #tpu.memory_space<vmem>> -> memref<128xi32, #tpu.memory_space<vmem>>
        %dma_start3A_639 = arith.constant 0 : i32
        %dma_start3A_640 = arith.constant 0 : i32
        %dma_start3A_641 = tpu.memref_slice %arg2[%dma_start3A_639, %dma_start3A_640] : memref<100000x32xf32, #tpu.memory_space<hbm>> -> memref<100000x32xf32, #tpu.memory_space<hbm>>
        %dma_start3A_642 = tpu.memref_slice %arg7[%dma_start3A_633] : memref<8x!tpu.dma_semaphore, #tpu.memory_space<semaphore_mem>> -> memref<1x!tpu.dma_semaphore, #tpu.memory_space<semaphore_mem>>
        %dma_start3A_643 = tpu.memref_squeeze %dma_start3A_642 : memref<1x!tpu.dma_semaphore, #tpu.memory_space<semaphore_mem>> -> memref<!tpu.dma_semaphore, #tpu.memory_space<semaphore_mem>>
        tpu.enqueue_indirect_dma source(%dma_start3A_641 : memref<100000x32xf32, #tpu.memory_space<hbm>>) target(%dma_start3A_637 : memref<128x32xf32, #tpu.memory_space<vmem>>) offsets(%dma_start3A_638 : memref<128xi32, #tpu.memory_space<vmem>>) semaphore(%dma_start3A_643 : memref<!tpu.dma_semaphore, #tpu.memory_space<semaphore_mem>>)
      } else {
      }
      %mul3A_243 = arith.constant 8 : i32
      %mul3A_244 = arith.muli %scan3A_118, %mul3A_243 : i32
      %add3A_245 = arith.constant 2 : i32
      %add3A_246 = arith.addi %mul3A_244, %add3A_245 : i32
      %mul3A_247 = arith.constant 128 : i32
      %mul3A_248 = arith.muli %add3A_246, %mul3A_247 : i32
      %multiple_of3A_249 = tpu.assume_multiple %mul3A_248, 8 : i32
      %dma_wait3A_250 = arith.constant 2 : i32
      %dma_wait3A_251 = arith.constant 2 : i32
      %dma_wait3A_252 = arith.constant 0 : i32
      %dma_wait3A_253 = arith.constant 0 : i32
      %dma_wait3A_254 = tpu.memref_slice %arg6[%dma_wait3A_250, %dma_wait3A_252, %dma_wait3A_253] : memref<8x128x32xf32, #tpu.memory_space<vmem>> -> memref<1x128x32xf32, #tpu.memory_space<vmem>>
      %dma_wait3A_255 = tpu.memref_squeeze %dma_wait3A_254 : memref<1x128x32xf32, #tpu.memory_space<vmem>> -> memref<128x32xf32, #tpu.memory_space<vmem>>
      %dma_wait3A_256 = tpu.memref_slice %arg5[%multiple_of3A_249] : memref<25600xi32, #tpu.memory_space<vmem>> -> memref<128xi32, #tpu.memory_space<vmem>>
      %dma_wait3A_257 = arith.constant 0 : i32
      %dma_wait3A_258 = arith.constant 0 : i32
      %dma_wait3A_259 = tpu.memref_slice %arg2[%dma_wait3A_257, %dma_wait3A_258] : memref<100000x32xf32, #tpu.memory_space<hbm>> -> memref<100000x32xf32, #tpu.memory_space<hbm>>
      %dma_wait3A_260 = tpu.memref_slice %arg7[%dma_wait3A_251] : memref<8x!tpu.dma_semaphore, #tpu.memory_space<semaphore_mem>> -> memref<1x!tpu.dma_semaphore, #tpu.memory_space<semaphore_mem>>
      %dma_wait3A_261 = tpu.memref_squeeze %dma_wait3A_260 : memref<1x!tpu.dma_semaphore, #tpu.memory_space<semaphore_mem>> -> memref<!tpu.dma_semaphore, #tpu.memory_space<semaphore_mem>>
      tpu.wait_indirect_dma semaphore(%dma_wait3A_261 : memref<!tpu.dma_semaphore, #tpu.memory_space<semaphore_mem>>) src(%dma_wait3A_259 : memref<100000x32xf32, #tpu.memory_space<hbm>>) dst(%dma_wait3A_255 : memref<128x32xf32, #tpu.memory_space<vmem>>)
      %mul3A_262 = arith.constant 128 : i32
      %mul3A_263 = arith.muli %add3A_246, %mul3A_262 : i32
      %multiple_of3A_264 = tpu.assume_multiple %mul3A_263, 8 : i32
      %add3A_265 = arith.addi %mul3A_2, %multiple_of3A_264 : i32
      %dma_start3A_266 = arith.constant 2 : i32
      %dma_start3A_267 = arith.constant 2 : i32
      %dma_start3A_268 = arith.constant 0 : i32
      %dma_start3A_269 = arith.constant 0 : i32
      %dma_start3A_270 = tpu.memref_slice %arg6[%dma_start3A_266, %dma_start3A_268, %dma_start3A_269] : memref<8x128x32xf32, #tpu.memory_space<vmem>> -> memref<1x128x32xf32, #tpu.memory_space<vmem>>
      %dma_start3A_271 = tpu.memref_squeeze %dma_start3A_270 : memref<1x128x32xf32, #tpu.memory_space<vmem>> -> memref<128x32xf32, #tpu.memory_space<vmem>>
      %dma_start3A_272 = arith.constant 0 : i32
      %dma_start3A_273 = tpu.memref_slice %arg4[%add3A_265, %dma_start3A_272] : memref<819200x32xf32, #tpu.memory_space<hbm>> -> memref<128x32xf32, #tpu.memory_space<hbm>>
      %dma_start3A_274 = tpu.memref_slice %arg8[%dma_start3A_267] : memref<8x!tpu.dma_semaphore, #tpu.memory_space<semaphore_mem>> -> memref<1x!tpu.dma_semaphore, #tpu.memory_space<semaphore_mem>>
      %dma_start3A_275 = tpu.memref_squeeze %dma_start3A_274 : memref<1x!tpu.dma_semaphore, #tpu.memory_space<semaphore_mem>> -> memref<!tpu.dma_semaphore, #tpu.memory_space<semaphore_mem>>
      %dma_start3A_276 = arith.constant 0 : i32
      %dma_start3A_277 = tpu.memref_slice %arg4[%add3A_265, %dma_start3A_276] : memref<819200x32xf32, #tpu.memory_space<hbm>> -> memref<128x32xf32, #tpu.memory_space<hbm>>
      %dma_start3A_278 = arith.constant 0 : i32
      %dma_start3A_279 = arith.constant 0 : i32
      %dma_start3A_280 = tpu.memref_slice %arg6[%dma_start3A_266, %dma_start3A_278, %dma_start3A_279] : memref<8x128x32xf32, #tpu.memory_space<vmem>> -> memref<1x128x32xf32, #tpu.memory_space<vmem>>
      %dma_start3A_281 = tpu.memref_squeeze %dma_start3A_280 : memref<1x128x32xf32, #tpu.memory_space<vmem>> -> memref<128x32xf32, #tpu.memory_space<vmem>>
      tpu.enqueue_dma source(%dma_start3A_281 : memref<128x32xf32, #tpu.memory_space<vmem>>) target(%dma_start3A_277 : memref<128x32xf32, #tpu.memory_space<hbm>>) target_semaphore(%dma_start3A_275 : memref<!tpu.dma_semaphore, #tpu.memory_space<semaphore_mem>>)
      %mul3A_282 = arith.constant 128 : i32
      %mul3A_283 = arith.muli %add3A_246, %mul3A_282 : i32
      %multiple_of3A_284 = tpu.assume_multiple %mul3A_283, 8 : i32
      %add3A_285 = arith.addi %mul3A_2, %multiple_of3A_284 : i32
      %dma_wait3A_286 = arith.constant 2 : i32
      %dma_wait3A_287 = arith.constant 2 : i32
      %dma_wait3A_288 = arith.constant 0 : i32
      %dma_wait3A_289 = arith.constant 0 : i32
      %dma_wait3A_290 = tpu.memref_slice %arg6[%dma_wait3A_286, %dma_wait3A_288, %dma_wait3A_289] : memref<8x128x32xf32, #tpu.memory_space<vmem>> -> memref<1x128x32xf32, #tpu.memory_space<vmem>>
      %dma_wait3A_291 = tpu.memref_squeeze %dma_wait3A_290 : memref<1x128x32xf32, #tpu.memory_space<vmem>> -> memref<128x32xf32, #tpu.memory_space<vmem>>
      %dma_wait3A_292 = arith.constant 0 : i32
      %dma_wait3A_293 = tpu.memref_slice %arg4[%add3A_285, %dma_wait3A_292] : memref<819200x32xf32, #tpu.memory_space<hbm>> -> memref<128x32xf32, #tpu.memory_space<hbm>>
      %dma_wait3A_294 = tpu.memref_slice %arg8[%dma_wait3A_287] : memref<8x!tpu.dma_semaphore, #tpu.memory_space<semaphore_mem>> -> memref<1x!tpu.dma_semaphore, #tpu.memory_space<semaphore_mem>>
      %dma_wait3A_295 = tpu.memref_squeeze %dma_wait3A_294 : memref<1x!tpu.dma_semaphore, #tpu.memory_space<semaphore_mem>> -> memref<!tpu.dma_semaphore, #tpu.memory_space<semaphore_mem>>
      %dma_wait3A_296 = arith.constant 0 : i32
      %dma_wait3A_297 = tpu.memref_slice %arg4[%add3A_285, %dma_wait3A_296] : memref<819200x32xf32, #tpu.memory_space<hbm>> -> memref<128x32xf32, #tpu.memory_space<hbm>>
      %dma_wait3A_298 = arith.constant 0 : i32
      %dma_wait3A_299 = arith.constant 0 : i32
      %dma_wait3A_300 = tpu.memref_slice %arg6[%dma_wait3A_286, %dma_wait3A_298, %dma_wait3A_299] : memref<8x128x32xf32, #tpu.memory_space<vmem>> -> memref<1x128x32xf32, #tpu.memory_space<vmem>>
      %dma_wait3A_301 = tpu.memref_squeeze %dma_wait3A_300 : memref<1x128x32xf32, #tpu.memory_space<vmem>> -> memref<128x32xf32, #tpu.memory_space<vmem>>
      tpu.wait_dma2 semaphore(%dma_wait3A_295 : memref<!tpu.dma_semaphore, #tpu.memory_space<semaphore_mem>>) src(%dma_wait3A_301 : memref<128x32xf32, #tpu.memory_space<vmem>>) dst(%dma_wait3A_297 : memref<128x32xf32, #tpu.memory_space<hbm>>)
      %lt3A_302 = arith.constant 24 : i32
      %lt3A_303 = arith.cmpi slt, %scan3A_118, %lt3A_302 : i32
      %convert_element_type3A_304 = arith.extui %lt3A_303 : i1 to i32
      %cond3A_305 = arith.constant 0 : i32
      %cond3A_306 = arith.cmpi ne, %convert_element_type3A_304, %cond3A_305 : i32
      scf.if %cond3A_306 {
        %add3A_627 = arith.constant 8 : i32
        %add3A_628 = arith.addi %add3A_246, %add3A_627 : i32
        %mul3A_629 = arith.constant 128 : i32
        %mul3A_630 = arith.muli %add3A_628, %mul3A_629 : i32
        %multiple_of3A_631 = tpu.assume_multiple %mul3A_630, 8 : i32
        %dma_start3A_632 = arith.constant 2 : i32
        %dma_start3A_633 = arith.constant 2 : i32
        %dma_start3A_634 = arith.constant 0 : i32
        %dma_start3A_635 = arith.constant 0 : i32
        %dma_start3A_636 = tpu.memref_slice %arg6[%dma_start3A_632, %dma_start3A_634, %dma_start3A_635] : memref<8x128x32xf32, #tpu.memory_space<vmem>> -> memref<1x128x32xf32, #tpu.memory_space<vmem>>
        %dma_start3A_637 = tpu.memref_squeeze %dma_start3A_636 : memref<1x128x32xf32, #tpu.memory_space<vmem>> -> memref<128x32xf32, #tpu.memory_space<vmem>>
        %dma_start3A_638 = tpu.memref_slice %arg5[%multiple_of3A_631] : memref<25600xi32, #tpu.memory_space<vmem>> -> memref<128xi32, #tpu.memory_space<vmem>>
        %dma_start3A_639 = arith.constant 0 : i32
        %dma_start3A_640 = arith.constant 0 : i32
        %dma_start3A_641 = tpu.memref_slice %arg2[%dma_start3A_639, %dma_start3A_640] : memref<100000x32xf32, #tpu.memory_space<hbm>> -> memref<100000x32xf32, #tpu.memory_space<hbm>>
        %dma_start3A_642 = tpu.memref_slice %arg7[%dma_start3A_633] : memref<8x!tpu.dma_semaphore, #tpu.memory_space<semaphore_mem>> -> memref<1x!tpu.dma_semaphore, #tpu.memory_space<semaphore_mem>>
        %dma_start3A_643 = tpu.memref_squeeze %dma_start3A_642 : memref<1x!tpu.dma_semaphore, #tpu.memory_space<semaphore_mem>> -> memref<!tpu.dma_semaphore, #tpu.memory_space<semaphore_mem>>
        tpu.enqueue_indirect_dma source(%dma_start3A_641 : memref<100000x32xf32, #tpu.memory_space<hbm>>) target(%dma_start3A_637 : memref<128x32xf32, #tpu.memory_space<vmem>>) offsets(%dma_start3A_638 : memref<128xi32, #tpu.memory_space<vmem>>) semaphore(%dma_start3A_643 : memref<!tpu.dma_semaphore, #tpu.memory_space<semaphore_mem>>)
      } else {
      }
      %mul3A_307 = arith.constant 8 : i32
      %mul3A_308 = arith.muli %scan3A_118, %mul3A_307 : i32
      %add3A_309 = arith.constant 3 : i32
      %add3A_310 = arith.addi %mul3A_308, %add3A_309 : i32
      %mul3A_311 = arith.constant 128 : i32
      %mul3A_312 = arith.muli %add3A_310, %mul3A_311 : i32
      %multiple_of3A_313 = tpu.assume_multiple %mul3A_312, 8 : i32
      %dma_wait3A_314 = arith.constant 3 : i32
      %dma_wait3A_315 = arith.constant 3 : i32
      %dma_wait3A_316 = arith.constant 0 : i32
      %dma_wait3A_317 = arith.constant 0 : i32
      %dma_wait3A_318 = tpu.memref_slice %arg6[%dma_wait3A_314, %dma_wait3A_316, %dma_wait3A_317] : memref<8x128x32xf32, #tpu.memory_space<vmem>> -> memref<1x128x32xf32, #tpu.memory_space<vmem>>
      %dma_wait3A_319 = tpu.memref_squeeze %dma_wait3A_318 : memref<1x128x32xf32, #tpu.memory_space<vmem>> -> memref<128x32xf32, #tpu.memory_space<vmem>>
      %dma_wait3A_320 = tpu.memref_slice %arg5[%multiple_of3A_313] : memref<25600xi32, #tpu.memory_space<vmem>> -> memref<128xi32, #tpu.memory_space<vmem>>
      %dma_wait3A_321 = arith.constant 0 : i32
      %dma_wait3A_322 = arith.constant 0 : i32
      %dma_wait3A_323 = tpu.memref_slice %arg2[%dma_wait3A_321, %dma_wait3A_322] : memref<100000x32xf32, #tpu.memory_space<hbm>> -> memref<100000x32xf32, #tpu.memory_space<hbm>>
      %dma_wait3A_324 = tpu.memref_slice %arg7[%dma_wait3A_315] : memref<8x!tpu.dma_semaphore, #tpu.memory_space<semaphore_mem>> -> memref<1x!tpu.dma_semaphore, #tpu.memory_space<semaphore_mem>>
      %dma_wait3A_325 = tpu.memref_squeeze %dma_wait3A_324 : memref<1x!tpu.dma_semaphore, #tpu.memory_space<semaphore_mem>> -> memref<!tpu.dma_semaphore, #tpu.memory_space<semaphore_mem>>
      tpu.wait_indirect_dma semaphore(%dma_wait3A_325 : memref<!tpu.dma_semaphore, #tpu.memory_space<semaphore_mem>>) src(%dma_wait3A_323 : memref<100000x32xf32, #tpu.memory_space<hbm>>) dst(%dma_wait3A_319 : memref<128x32xf32, #tpu.memory_space<vmem>>)
      %mul3A_326 = arith.constant 128 : i32
      %mul3A_327 = arith.muli %add3A_310, %mul3A_326 : i32
      %multiple_of3A_328 = tpu.assume_multiple %mul3A_327, 8 : i32
      %add3A_329 = arith.addi %mul3A_2, %multiple_of3A_328 : i32
      %dma_start3A_330 = arith.constant 3 : i32
      %dma_start3A_331 = arith.constant 3 : i32
      %dma_start3A_332 = arith.constant 0 : i32
      %dma_start3A_333 = arith.constant 0 : i32
      %dma_start3A_334 = tpu.memref_slice %arg6[%dma_start3A_330, %dma_start3A_332, %dma_start3A_333] : memref<8x128x32xf32, #tpu.memory_space<vmem>> -> memref<1x128x32xf32, #tpu.memory_space<vmem>>
      %dma_start3A_335 = tpu.memref_squeeze %dma_start3A_334 : memref<1x128x32xf32, #tpu.memory_space<vmem>> -> memref<128x32xf32, #tpu.memory_space<vmem>>
      %dma_start3A_336 = arith.constant 0 : i32
      %dma_start3A_337 = tpu.memref_slice %arg4[%add3A_329, %dma_start3A_336] : memref<819200x32xf32, #tpu.memory_space<hbm>> -> memref<128x32xf32, #tpu.memory_space<hbm>>
      %dma_start3A_338 = tpu.memref_slice %arg8[%dma_start3A_331] : memref<8x!tpu.dma_semaphore, #tpu.memory_space<semaphore_mem>> -> memref<1x!tpu.dma_semaphore, #tpu.memory_space<semaphore_mem>>
      %dma_start3A_339 = tpu.memref_squeeze %dma_start3A_338 : memref<1x!tpu.dma_semaphore, #tpu.memory_space<semaphore_mem>> -> memref<!tpu.dma_semaphore, #tpu.memory_space<semaphore_mem>>
      %dma_start3A_340 = arith.constant 0 : i32
      %dma_start3A_341 = tpu.memref_slice %arg4[%add3A_329, %dma_start3A_340] : memref<819200x32xf32, #tpu.memory_space<hbm>> -> memref<128x32xf32, #tpu.memory_space<hbm>>
      %dma_start3A_342 = arith.constant 0 : i32
      %dma_start3A_343 = arith.constant 0 : i32
      %dma_start3A_344 = tpu.memref_slice %arg6[%dma_start3A_330, %dma_start3A_342, %dma_start3A_343] : memref<8x128x32xf32, #tpu.memory_space<vmem>> -> memref<1x128x32xf32, #tpu.memory_space<vmem>>
      %dma_start3A_345 = tpu.memref_squeeze %dma_start3A_344 : memref<1x128x32xf32, #tpu.memory_space<vmem>> -> memref<128x32xf32, #tpu.memory_space<vmem>>
      tpu.enqueue_dma source(%dma_start3A_345 : memref<128x32xf32, #tpu.memory_space<vmem>>) target(%dma_start3A_341 : memref<128x32xf32, #tpu.memory_space<hbm>>) target_semaphore(%dma_start3A_339 : memref<!tpu.dma_semaphore, #tpu.memory_space<semaphore_mem>>)
      %mul3A_346 = arith.constant 128 : i32
      %mul3A_347 = arith.muli %add3A_310, %mul3A_346 : i32
      %multiple_of3A_348 = tpu.assume_multiple %mul3A_347, 8 : i32
      %add3A_349 = arith.addi %mul3A_2, %multiple_of3A_348 : i32
      %dma_wait3A_350 = arith.constant 3 : i32
      %dma_wait3A_351 = arith.constant 3 : i32
      %dma_wait3A_352 = arith.constant 0 : i32
      %dma_wait3A_353 = arith.constant 0 : i32
      %dma_wait3A_354 = tpu.memref_slice %arg6[%dma_wait3A_350, %dma_wait3A_352, %dma_wait3A_353] : memref<8x128x32xf32, #tpu.memory_space<vmem>> -> memref<1x128x32xf32, #tpu.memory_space<vmem>>
      %dma_wait3A_355 = tpu.memref_squeeze %dma_wait3A_354 : memref<1x128x32xf32, #tpu.memory_space<vmem>> -> memref<128x32xf32, #tpu.memory_space<vmem>>
      %dma_wait3A_356 = arith.constant 0 : i32
      %dma_wait3A_357 = tpu.memref_slice %arg4[%add3A_349, %dma_wait3A_356] : memref<819200x32xf32, #tpu.memory_space<hbm>> -> memref<128x32xf32, #tpu.memory_space<hbm>>
      %dma_wait3A_358 = tpu.memref_slice %arg8[%dma_wait3A_351] : memref<8x!tpu.dma_semaphore, #tpu.memory_space<semaphore_mem>> -> memref<1x!tpu.dma_semaphore, #tpu.memory_space<semaphore_mem>>
      %dma_wait3A_359 = tpu.memref_squeeze %dma_wait3A_358 : memref<1x!tpu.dma_semaphore, #tpu.memory_space<semaphore_mem>> -> memref<!tpu.dma_semaphore, #tpu.memory_space<semaphore_mem>>
      %dma_wait3A_360 = arith.constant 0 : i32
      %dma_wait3A_361 = tpu.memref_slice %arg4[%add3A_349, %dma_wait3A_360] : memref<819200x32xf32, #tpu.memory_space<hbm>> -> memref<128x32xf32, #tpu.memory_space<hbm>>
      %dma_wait3A_362 = arith.constant 0 : i32
      %dma_wait3A_363 = arith.constant 0 : i32
      %dma_wait3A_364 = tpu.memref_slice %arg6[%dma_wait3A_350, %dma_wait3A_362, %dma_wait3A_363] : memref<8x128x32xf32, #tpu.memory_space<vmem>> -> memref<1x128x32xf32, #tpu.memory_space<vmem>>
      %dma_wait3A_365 = tpu.memref_squeeze %dma_wait3A_364 : memref<1x128x32xf32, #tpu.memory_space<vmem>> -> memref<128x32xf32, #tpu.memory_space<vmem>>
      tpu.wait_dma2 semaphore(%dma_wait3A_359 : memref<!tpu.dma_semaphore, #tpu.memory_space<semaphore_mem>>) src(%dma_wait3A_365 : memref<128x32xf32, #tpu.memory_space<vmem>>) dst(%dma_wait3A_361 : memref<128x32xf32, #tpu.memory_space<hbm>>)
      %lt3A_366 = arith.constant 24 : i32
      %lt3A_367 = arith.cmpi slt, %scan3A_118, %lt3A_366 : i32
      %convert_element_type3A_368 = arith.extui %lt3A_367 : i1 to i32
      %cond3A_369 = arith.constant 0 : i32
      %cond3A_370 = arith.cmpi ne, %convert_element_type3A_368, %cond3A_369 : i32
      scf.if %cond3A_370 {
        %add3A_627 = arith.constant 8 : i32
        %add3A_628 = arith.addi %add3A_310, %add3A_627 : i32
        %mul3A_629 = arith.constant 128 : i32
        %mul3A_630 = arith.muli %add3A_628, %mul3A_629 : i32
        %multiple_of3A_631 = tpu.assume_multiple %mul3A_630, 8 : i32
        %dma_start3A_632 = arith.constant 3 : i32
        %dma_start3A_633 = arith.constant 3 : i32
        %dma_start3A_634 = arith.constant 0 : i32
        %dma_start3A_635 = arith.constant 0 : i32
        %dma_start3A_636 = tpu.memref_slice %arg6[%dma_start3A_632, %dma_start3A_634, %dma_start3A_635] : memref<8x128x32xf32, #tpu.memory_space<vmem>> -> memref<1x128x32xf32, #tpu.memory_space<vmem>>
        %dma_start3A_637 = tpu.memref_squeeze %dma_start3A_636 : memref<1x128x32xf32, #tpu.memory_space<vmem>> -> memref<128x32xf32, #tpu.memory_space<vmem>>
        %dma_start3A_638 = tpu.memref_slice %arg5[%multiple_of3A_631] : memref<25600xi32, #tpu.memory_space<vmem>> -> memref<128xi32, #tpu.memory_space<vmem>>
        %dma_start3A_639 = arith.constant 0 : i32
        %dma_start3A_640 = arith.constant 0 : i32
        %dma_start3A_641 = tpu.memref_slice %arg2[%dma_start3A_639, %dma_start3A_640] : memref<100000x32xf32, #tpu.memory_space<hbm>> -> memref<100000x32xf32, #tpu.memory_space<hbm>>
        %dma_start3A_642 = tpu.memref_slice %arg7[%dma_start3A_633] : memref<8x!tpu.dma_semaphore, #tpu.memory_space<semaphore_mem>> -> memref<1x!tpu.dma_semaphore, #tpu.memory_space<semaphore_mem>>
        %dma_start3A_643 = tpu.memref_squeeze %dma_start3A_642 : memref<1x!tpu.dma_semaphore, #tpu.memory_space<semaphore_mem>> -> memref<!tpu.dma_semaphore, #tpu.memory_space<semaphore_mem>>
        tpu.enqueue_indirect_dma source(%dma_start3A_641 : memref<100000x32xf32, #tpu.memory_space<hbm>>) target(%dma_start3A_637 : memref<128x32xf32, #tpu.memory_space<vmem>>) offsets(%dma_start3A_638 : memref<128xi32, #tpu.memory_space<vmem>>) semaphore(%dma_start3A_643 : memref<!tpu.dma_semaphore, #tpu.memory_space<semaphore_mem>>)
      } else {
      }
      %mul3A_371 = arith.constant 8 : i32
      %mul3A_372 = arith.muli %scan3A_118, %mul3A_371 : i32
      %add3A_373 = arith.constant 4 : i32
      %add3A_374 = arith.addi %mul3A_372, %add3A_373 : i32
      %mul3A_375 = arith.constant 128 : i32
      %mul3A_376 = arith.muli %add3A_374, %mul3A_375 : i32
      %multiple_of3A_377 = tpu.assume_multiple %mul3A_376, 8 : i32
      %dma_wait3A_378 = arith.constant 4 : i32
      %dma_wait3A_379 = arith.constant 4 : i32
      %dma_wait3A_380 = arith.constant 0 : i32
      %dma_wait3A_381 = arith.constant 0 : i32
      %dma_wait3A_382 = tpu.memref_slice %arg6[%dma_wait3A_378, %dma_wait3A_380, %dma_wait3A_381] : memref<8x128x32xf32, #tpu.memory_space<vmem>> -> memref<1x128x32xf32, #tpu.memory_space<vmem>>
      %dma_wait3A_383 = tpu.memref_squeeze %dma_wait3A_382 : memref<1x128x32xf32, #tpu.memory_space<vmem>> -> memref<128x32xf32, #tpu.memory_space<vmem>>
      %dma_wait3A_384 = tpu.memref_slice %arg5[%multiple_of3A_377] : memref<25600xi32, #tpu.memory_space<vmem>> -> memref<128xi32, #tpu.memory_space<vmem>>
      %dma_wait3A_385 = arith.constant 0 : i32
      %dma_wait3A_386 = arith.constant 0 : i32
      %dma_wait3A_387 = tpu.memref_slice %arg2[%dma_wait3A_385, %dma_wait3A_386] : memref<100000x32xf32, #tpu.memory_space<hbm>> -> memref<100000x32xf32, #tpu.memory_space<hbm>>
      %dma_wait3A_388 = tpu.memref_slice %arg7[%dma_wait3A_379] : memref<8x!tpu.dma_semaphore, #tpu.memory_space<semaphore_mem>> -> memref<1x!tpu.dma_semaphore, #tpu.memory_space<semaphore_mem>>
      %dma_wait3A_389 = tpu.memref_squeeze %dma_wait3A_388 : memref<1x!tpu.dma_semaphore, #tpu.memory_space<semaphore_mem>> -> memref<!tpu.dma_semaphore, #tpu.memory_space<semaphore_mem>>
      tpu.wait_indirect_dma semaphore(%dma_wait3A_389 : memref<!tpu.dma_semaphore, #tpu.memory_space<semaphore_mem>>) src(%dma_wait3A_387 : memref<100000x32xf32, #tpu.memory_space<hbm>>) dst(%dma_wait3A_383 : memref<128x32xf32, #tpu.memory_space<vmem>>)
      %mul3A_390 = arith.constant 128 : i32
      %mul3A_391 = arith.muli %add3A_374, %mul3A_390 : i32
      %multiple_of3A_392 = tpu.assume_multiple %mul3A_391, 8 : i32
      %add3A_393 = arith.addi %mul3A_2, %multiple_of3A_392 : i32
      %dma_start3A_394 = arith.constant 4 : i32
      %dma_start3A_395 = arith.constant 4 : i32
      %dma_start3A_396 = arith.constant 0 : i32
      %dma_start3A_397 = arith.constant 0 : i32
      %dma_start3A_398 = tpu.memref_slice %arg6[%dma_start3A_394, %dma_start3A_396, %dma_start3A_397] : memref<8x128x32xf32, #tpu.memory_space<vmem>> -> memref<1x128x32xf32, #tpu.memory_space<vmem>>
      %dma_start3A_399 = tpu.memref_squeeze %dma_start3A_398 : memref<1x128x32xf32, #tpu.memory_space<vmem>> -> memref<128x32xf32, #tpu.memory_space<vmem>>
      %dma_start3A_400 = arith.constant 0 : i32
      %dma_start3A_401 = tpu.memref_slice %arg4[%add3A_393, %dma_start3A_400] : memref<819200x32xf32, #tpu.memory_space<hbm>> -> memref<128x32xf32, #tpu.memory_space<hbm>>
      %dma_start3A_402 = tpu.memref_slice %arg8[%dma_start3A_395] : memref<8x!tpu.dma_semaphore, #tpu.memory_space<semaphore_mem>> -> memref<1x!tpu.dma_semaphore, #tpu.memory_space<semaphore_mem>>
      %dma_start3A_403 = tpu.memref_squeeze %dma_start3A_402 : memref<1x!tpu.dma_semaphore, #tpu.memory_space<semaphore_mem>> -> memref<!tpu.dma_semaphore, #tpu.memory_space<semaphore_mem>>
      %dma_start3A_404 = arith.constant 0 : i32
      %dma_start3A_405 = tpu.memref_slice %arg4[%add3A_393, %dma_start3A_404] : memref<819200x32xf32, #tpu.memory_space<hbm>> -> memref<128x32xf32, #tpu.memory_space<hbm>>
      %dma_start3A_406 = arith.constant 0 : i32
      %dma_start3A_407 = arith.constant 0 : i32
      %dma_start3A_408 = tpu.memref_slice %arg6[%dma_start3A_394, %dma_start3A_406, %dma_start3A_407] : memref<8x128x32xf32, #tpu.memory_space<vmem>> -> memref<1x128x32xf32, #tpu.memory_space<vmem>>
      %dma_start3A_409 = tpu.memref_squeeze %dma_start3A_408 : memref<1x128x32xf32, #tpu.memory_space<vmem>> -> memref<128x32xf32, #tpu.memory_space<vmem>>
      tpu.enqueue_dma source(%dma_start3A_409 : memref<128x32xf32, #tpu.memory_space<vmem>>) target(%dma_start3A_405 : memref<128x32xf32, #tpu.memory_space<hbm>>) target_semaphore(%dma_start3A_403 : memref<!tpu.dma_semaphore, #tpu.memory_space<semaphore_mem>>)
      %mul3A_410 = arith.constant 128 : i32
      %mul3A_411 = arith.muli %add3A_374, %mul3A_410 : i32
      %multiple_of3A_412 = tpu.assume_multiple %mul3A_411, 8 : i32
      %add3A_413 = arith.addi %mul3A_2, %multiple_of3A_412 : i32
      %dma_wait3A_414 = arith.constant 4 : i32
      %dma_wait3A_415 = arith.constant 4 : i32
      %dma_wait3A_416 = arith.constant 0 : i32
      %dma_wait3A_417 = arith.constant 0 : i32
      %dma_wait3A_418 = tpu.memref_slice %arg6[%dma_wait3A_414, %dma_wait3A_416, %dma_wait3A_417] : memref<8x128x32xf32, #tpu.memory_space<vmem>> -> memref<1x128x32xf32, #tpu.memory_space<vmem>>
      %dma_wait3A_419 = tpu.memref_squeeze %dma_wait3A_418 : memref<1x128x32xf32, #tpu.memory_space<vmem>> -> memref<128x32xf32, #tpu.memory_space<vmem>>
      %dma_wait3A_420 = arith.constant 0 : i32
      %dma_wait3A_421 = tpu.memref_slice %arg4[%add3A_413, %dma_wait3A_420] : memref<819200x32xf32, #tpu.memory_space<hbm>> -> memref<128x32xf32, #tpu.memory_space<hbm>>
      %dma_wait3A_422 = tpu.memref_slice %arg8[%dma_wait3A_415] : memref<8x!tpu.dma_semaphore, #tpu.memory_space<semaphore_mem>> -> memref<1x!tpu.dma_semaphore, #tpu.memory_space<semaphore_mem>>
      %dma_wait3A_423 = tpu.memref_squeeze %dma_wait3A_422 : memref<1x!tpu.dma_semaphore, #tpu.memory_space<semaphore_mem>> -> memref<!tpu.dma_semaphore, #tpu.memory_space<semaphore_mem>>
      %dma_wait3A_424 = arith.constant 0 : i32
      %dma_wait3A_425 = tpu.memref_slice %arg4[%add3A_413, %dma_wait3A_424] : memref<819200x32xf32, #tpu.memory_space<hbm>> -> memref<128x32xf32, #tpu.memory_space<hbm>>
      %dma_wait3A_426 = arith.constant 0 : i32
      %dma_wait3A_427 = arith.constant 0 : i32
      %dma_wait3A_428 = tpu.memref_slice %arg6[%dma_wait3A_414, %dma_wait3A_426, %dma_wait3A_427] : memref<8x128x32xf32, #tpu.memory_space<vmem>> -> memref<1x128x32xf32, #tpu.memory_space<vmem>>
      %dma_wait3A_429 = tpu.memref_squeeze %dma_wait3A_428 : memref<1x128x32xf32, #tpu.memory_space<vmem>> -> memref<128x32xf32, #tpu.memory_space<vmem>>
      tpu.wait_dma2 semaphore(%dma_wait3A_423 : memref<!tpu.dma_semaphore, #tpu.memory_space<semaphore_mem>>) src(%dma_wait3A_429 : memref<128x32xf32, #tpu.memory_space<vmem>>) dst(%dma_wait3A_425 : memref<128x32xf32, #tpu.memory_space<hbm>>)
      %lt3A_430 = arith.constant 24 : i32
      %lt3A_431 = arith.cmpi slt, %scan3A_118, %lt3A_430 : i32
      %convert_element_type3A_432 = arith.extui %lt3A_431 : i1 to i32
      %cond3A_433 = arith.constant 0 : i32
      %cond3A_434 = arith.cmpi ne, %convert_element_type3A_432, %cond3A_433 : i32
      scf.if %cond3A_434 {
        %add3A_627 = arith.constant 8 : i32
        %add3A_628 = arith.addi %add3A_374, %add3A_627 : i32
        %mul3A_629 = arith.constant 128 : i32
        %mul3A_630 = arith.muli %add3A_628, %mul3A_629 : i32
        %multiple_of3A_631 = tpu.assume_multiple %mul3A_630, 8 : i32
        %dma_start3A_632 = arith.constant 4 : i32
        %dma_start3A_633 = arith.constant 4 : i32
        %dma_start3A_634 = arith.constant 0 : i32
        %dma_start3A_635 = arith.constant 0 : i32
        %dma_start3A_636 = tpu.memref_slice %arg6[%dma_start3A_632, %dma_start3A_634, %dma_start3A_635] : memref<8x128x32xf32, #tpu.memory_space<vmem>> -> memref<1x128x32xf32, #tpu.memory_space<vmem>>
        %dma_start3A_637 = tpu.memref_squeeze %dma_start3A_636 : memref<1x128x32xf32, #tpu.memory_space<vmem>> -> memref<128x32xf32, #tpu.memory_space<vmem>>
        %dma_start3A_638 = tpu.memref_slice %arg5[%multiple_of3A_631] : memref<25600xi32, #tpu.memory_space<vmem>> -> memref<128xi32, #tpu.memory_space<vmem>>
        %dma_start3A_639 = arith.constant 0 : i32
        %dma_start3A_640 = arith.constant 0 : i32
        %dma_start3A_641 = tpu.memref_slice %arg2[%dma_start3A_639, %dma_start3A_640] : memref<100000x32xf32, #tpu.memory_space<hbm>> -> memref<100000x32xf32, #tpu.memory_space<hbm>>
        %dma_start3A_642 = tpu.memref_slice %arg7[%dma_start3A_633] : memref<8x!tpu.dma_semaphore, #tpu.memory_space<semaphore_mem>> -> memref<1x!tpu.dma_semaphore, #tpu.memory_space<semaphore_mem>>
        %dma_start3A_643 = tpu.memref_squeeze %dma_start3A_642 : memref<1x!tpu.dma_semaphore, #tpu.memory_space<semaphore_mem>> -> memref<!tpu.dma_semaphore, #tpu.memory_space<semaphore_mem>>
        tpu.enqueue_indirect_dma source(%dma_start3A_641 : memref<100000x32xf32, #tpu.memory_space<hbm>>) target(%dma_start3A_637 : memref<128x32xf32, #tpu.memory_space<vmem>>) offsets(%dma_start3A_638 : memref<128xi32, #tpu.memory_space<vmem>>) semaphore(%dma_start3A_643 : memref<!tpu.dma_semaphore, #tpu.memory_space<semaphore_mem>>)
      } else {
      }
      %mul3A_435 = arith.constant 8 : i32
      %mul3A_436 = arith.muli %scan3A_118, %mul3A_435 : i32
      %add3A_437 = arith.constant 5 : i32
      %add3A_438 = arith.addi %mul3A_436, %add3A_437 : i32
      %mul3A_439 = arith.constant 128 : i32
      %mul3A_440 = arith.muli %add3A_438, %mul3A_439 : i32
      %multiple_of3A_441 = tpu.assume_multiple %mul3A_440, 8 : i32
      %dma_wait3A_442 = arith.constant 5 : i32
      %dma_wait3A_443 = arith.constant 5 : i32
      %dma_wait3A_444 = arith.constant 0 : i32
      %dma_wait3A_445 = arith.constant 0 : i32
      %dma_wait3A_446 = tpu.memref_slice %arg6[%dma_wait3A_442, %dma_wait3A_444, %dma_wait3A_445] : memref<8x128x32xf32, #tpu.memory_space<vmem>> -> memref<1x128x32xf32, #tpu.memory_space<vmem>>
      %dma_wait3A_447 = tpu.memref_squeeze %dma_wait3A_446 : memref<1x128x32xf32, #tpu.memory_space<vmem>> -> memref<128x32xf32, #tpu.memory_space<vmem>>
      %dma_wait3A_448 = tpu.memref_slice %arg5[%multiple_of3A_441] : memref<25600xi32, #tpu.memory_space<vmem>> -> memref<128xi32, #tpu.memory_space<vmem>>
      %dma_wait3A_449 = arith.constant 0 : i32
      %dma_wait3A_450 = arith.constant 0 : i32
      %dma_wait3A_451 = tpu.memref_slice %arg2[%dma_wait3A_449, %dma_wait3A_450] : memref<100000x32xf32, #tpu.memory_space<hbm>> -> memref<100000x32xf32, #tpu.memory_space<hbm>>
      %dma_wait3A_452 = tpu.memref_slice %arg7[%dma_wait3A_443] : memref<8x!tpu.dma_semaphore, #tpu.memory_space<semaphore_mem>> -> memref<1x!tpu.dma_semaphore, #tpu.memory_space<semaphore_mem>>
      %dma_wait3A_453 = tpu.memref_squeeze %dma_wait3A_452 : memref<1x!tpu.dma_semaphore, #tpu.memory_space<semaphore_mem>> -> memref<!tpu.dma_semaphore, #tpu.memory_space<semaphore_mem>>
      tpu.wait_indirect_dma semaphore(%dma_wait3A_453 : memref<!tpu.dma_semaphore, #tpu.memory_space<semaphore_mem>>) src(%dma_wait3A_451 : memref<100000x32xf32, #tpu.memory_space<hbm>>) dst(%dma_wait3A_447 : memref<128x32xf32, #tpu.memory_space<vmem>>)
      %mul3A_454 = arith.constant 128 : i32
      %mul3A_455 = arith.muli %add3A_438, %mul3A_454 : i32
      %multiple_of3A_456 = tpu.assume_multiple %mul3A_455, 8 : i32
      %add3A_457 = arith.addi %mul3A_2, %multiple_of3A_456 : i32
      %dma_start3A_458 = arith.constant 5 : i32
      %dma_start3A_459 = arith.constant 5 : i32
      %dma_start3A_460 = arith.constant 0 : i32
      %dma_start3A_461 = arith.constant 0 : i32
      %dma_start3A_462 = tpu.memref_slice %arg6[%dma_start3A_458, %dma_start3A_460, %dma_start3A_461] : memref<8x128x32xf32, #tpu.memory_space<vmem>> -> memref<1x128x32xf32, #tpu.memory_space<vmem>>
      %dma_start3A_463 = tpu.memref_squeeze %dma_start3A_462 : memref<1x128x32xf32, #tpu.memory_space<vmem>> -> memref<128x32xf32, #tpu.memory_space<vmem>>
      %dma_start3A_464 = arith.constant 0 : i32
      %dma_start3A_465 = tpu.memref_slice %arg4[%add3A_457, %dma_start3A_464] : memref<819200x32xf32, #tpu.memory_space<hbm>> -> memref<128x32xf32, #tpu.memory_space<hbm>>
      %dma_start3A_466 = tpu.memref_slice %arg8[%dma_start3A_459] : memref<8x!tpu.dma_semaphore, #tpu.memory_space<semaphore_mem>> -> memref<1x!tpu.dma_semaphore, #tpu.memory_space<semaphore_mem>>
      %dma_start3A_467 = tpu.memref_squeeze %dma_start3A_466 : memref<1x!tpu.dma_semaphore, #tpu.memory_space<semaphore_mem>> -> memref<!tpu.dma_semaphore, #tpu.memory_space<semaphore_mem>>
      %dma_start3A_468 = arith.constant 0 : i32
      %dma_start3A_469 = tpu.memref_slice %arg4[%add3A_457, %dma_start3A_468] : memref<819200x32xf32, #tpu.memory_space<hbm>> -> memref<128x32xf32, #tpu.memory_space<hbm>>
      %dma_start3A_470 = arith.constant 0 : i32
      %dma_start3A_471 = arith.constant 0 : i32
      %dma_start3A_472 = tpu.memref_slice %arg6[%dma_start3A_458, %dma_start3A_470, %dma_start3A_471] : memref<8x128x32xf32, #tpu.memory_space<vmem>> -> memref<1x128x32xf32, #tpu.memory_space<vmem>>
      %dma_start3A_473 = tpu.memref_squeeze %dma_start3A_472 : memref<1x128x32xf32, #tpu.memory_space<vmem>> -> memref<128x32xf32, #tpu.memory_space<vmem>>
      tpu.enqueue_dma source(%dma_start3A_473 : memref<128x32xf32, #tpu.memory_space<vmem>>) target(%dma_start3A_469 : memref<128x32xf32, #tpu.memory_space<hbm>>) target_semaphore(%dma_start3A_467 : memref<!tpu.dma_semaphore, #tpu.memory_space<semaphore_mem>>)
      %mul3A_474 = arith.constant 128 : i32
      %mul3A_475 = arith.muli %add3A_438, %mul3A_474 : i32
      %multiple_of3A_476 = tpu.assume_multiple %mul3A_475, 8 : i32
      %add3A_477 = arith.addi %mul3A_2, %multiple_of3A_476 : i32
      %dma_wait3A_478 = arith.constant 5 : i32
      %dma_wait3A_479 = arith.constant 5 : i32
      %dma_wait3A_480 = arith.constant 0 : i32
      %dma_wait3A_481 = arith.constant 0 : i32
      %dma_wait3A_482 = tpu.memref_slice %arg6[%dma_wait3A_478, %dma_wait3A_480, %dma_wait3A_481] : memref<8x128x32xf32, #tpu.memory_space<vmem>> -> memref<1x128x32xf32, #tpu.memory_space<vmem>>
      %dma_wait3A_483 = tpu.memref_squeeze %dma_wait3A_482 : memref<1x128x32xf32, #tpu.memory_space<vmem>> -> memref<128x32xf32, #tpu.memory_space<vmem>>
      %dma_wait3A_484 = arith.constant 0 : i32
      %dma_wait3A_485 = tpu.memref_slice %arg4[%add3A_477, %dma_wait3A_484] : memref<819200x32xf32, #tpu.memory_space<hbm>> -> memref<128x32xf32, #tpu.memory_space<hbm>>
      %dma_wait3A_486 = tpu.memref_slice %arg8[%dma_wait3A_479] : memref<8x!tpu.dma_semaphore, #tpu.memory_space<semaphore_mem>> -> memref<1x!tpu.dma_semaphore, #tpu.memory_space<semaphore_mem>>
      %dma_wait3A_487 = tpu.memref_squeeze %dma_wait3A_486 : memref<1x!tpu.dma_semaphore, #tpu.memory_space<semaphore_mem>> -> memref<!tpu.dma_semaphore, #tpu.memory_space<semaphore_mem>>
      %dma_wait3A_488 = arith.constant 0 : i32
      %dma_wait3A_489 = tpu.memref_slice %arg4[%add3A_477, %dma_wait3A_488] : memref<819200x32xf32, #tpu.memory_space<hbm>> -> memref<128x32xf32, #tpu.memory_space<hbm>>
      %dma_wait3A_490 = arith.constant 0 : i32
      %dma_wait3A_491 = arith.constant 0 : i32
      %dma_wait3A_492 = tpu.memref_slice %arg6[%dma_wait3A_478, %dma_wait3A_490, %dma_wait3A_491] : memref<8x128x32xf32, #tpu.memory_space<vmem>> -> memref<1x128x32xf32, #tpu.memory_space<vmem>>
      %dma_wait3A_493 = tpu.memref_squeeze %dma_wait3A_492 : memref<1x128x32xf32, #tpu.memory_space<vmem>> -> memref<128x32xf32, #tpu.memory_space<vmem>>
      tpu.wait_dma2 semaphore(%dma_wait3A_487 : memref<!tpu.dma_semaphore, #tpu.memory_space<semaphore_mem>>) src(%dma_wait3A_493 : memref<128x32xf32, #tpu.memory_space<vmem>>) dst(%dma_wait3A_489 : memref<128x32xf32, #tpu.memory_space<hbm>>)
      %lt3A_494 = arith.constant 24 : i32
      %lt3A_495 = arith.cmpi slt, %scan3A_118, %lt3A_494 : i32
      %convert_element_type3A_496 = arith.extui %lt3A_495 : i1 to i32
      %cond3A_497 = arith.constant 0 : i32
      %cond3A_498 = arith.cmpi ne, %convert_element_type3A_496, %cond3A_497 : i32
      scf.if %cond3A_498 {
        %add3A_627 = arith.constant 8 : i32
        %add3A_628 = arith.addi %add3A_438, %add3A_627 : i32
        %mul3A_629 = arith.constant 128 : i32
        %mul3A_630 = arith.muli %add3A_628, %mul3A_629 : i32
        %multiple_of3A_631 = tpu.assume_multiple %mul3A_630, 8 : i32
        %dma_start3A_632 = arith.constant 5 : i32
        %dma_start3A_633 = arith.constant 5 : i32
        %dma_start3A_634 = arith.constant 0 : i32
        %dma_start3A_635 = arith.constant 0 : i32
        %dma_start3A_636 = tpu.memref_slice %arg6[%dma_start3A_632, %dma_start3A_634, %dma_start3A_635] : memref<8x128x32xf32, #tpu.memory_space<vmem>> -> memref<1x128x32xf32, #tpu.memory_space<vmem>>
        %dma_start3A_637 = tpu.memref_squeeze %dma_start3A_636 : memref<1x128x32xf32, #tpu.memory_space<vmem>> -> memref<128x32xf32, #tpu.memory_space<vmem>>
        %dma_start3A_638 = tpu.memref_slice %arg5[%multiple_of3A_631] : memref<25600xi32, #tpu.memory_space<vmem>> -> memref<128xi32, #tpu.memory_space<vmem>>
        %dma_start3A_639 = arith.constant 0 : i32
        %dma_start3A_640 = arith.constant 0 : i32
        %dma_start3A_641 = tpu.memref_slice %arg2[%dma_start3A_639, %dma_start3A_640] : memref<100000x32xf32, #tpu.memory_space<hbm>> -> memref<100000x32xf32, #tpu.memory_space<hbm>>
        %dma_start3A_642 = tpu.memref_slice %arg7[%dma_start3A_633] : memref<8x!tpu.dma_semaphore, #tpu.memory_space<semaphore_mem>> -> memref<1x!tpu.dma_semaphore, #tpu.memory_space<semaphore_mem>>
        %dma_start3A_643 = tpu.memref_squeeze %dma_start3A_642 : memref<1x!tpu.dma_semaphore, #tpu.memory_space<semaphore_mem>> -> memref<!tpu.dma_semaphore, #tpu.memory_space<semaphore_mem>>
        tpu.enqueue_indirect_dma source(%dma_start3A_641 : memref<100000x32xf32, #tpu.memory_space<hbm>>) target(%dma_start3A_637 : memref<128x32xf32, #tpu.memory_space<vmem>>) offsets(%dma_start3A_638 : memref<128xi32, #tpu.memory_space<vmem>>) semaphore(%dma_start3A_643 : memref<!tpu.dma_semaphore, #tpu.memory_space<semaphore_mem>>)
      } else {
      }
      %mul3A_499 = arith.constant 8 : i32
      %mul3A_500 = arith.muli %scan3A_118, %mul3A_499 : i32
      %add3A_501 = arith.constant 6 : i32
      %add3A_502 = arith.addi %mul3A_500, %add3A_501 : i32
      %mul3A_503 = arith.constant 128 : i32
      %mul3A_504 = arith.muli %add3A_502, %mul3A_503 : i32
      %multiple_of3A_505 = tpu.assume_multiple %mul3A_504, 8 : i32
      %dma_wait3A_506 = arith.constant 6 : i32
      %dma_wait3A_507 = arith.constant 6 : i32
      %dma_wait3A_508 = arith.constant 0 : i32
      %dma_wait3A_509 = arith.constant 0 : i32
      %dma_wait3A_510 = tpu.memref_slice %arg6[%dma_wait3A_506, %dma_wait3A_508, %dma_wait3A_509] : memref<8x128x32xf32, #tpu.memory_space<vmem>> -> memref<1x128x32xf32, #tpu.memory_space<vmem>>
      %dma_wait3A_511 = tpu.memref_squeeze %dma_wait3A_510 : memref<1x128x32xf32, #tpu.memory_space<vmem>> -> memref<128x32xf32, #tpu.memory_space<vmem>>
      %dma_wait3A_512 = tpu.memref_slice %arg5[%multiple_of3A_505] : memref<25600xi32, #tpu.memory_space<vmem>> -> memref<128xi32, #tpu.memory_space<vmem>>
      %dma_wait3A_513 = arith.constant 0 : i32
      %dma_wait3A_514 = arith.constant 0 : i32
      %dma_wait3A_515 = tpu.memref_slice %arg2[%dma_wait3A_513, %dma_wait3A_514] : memref<100000x32xf32, #tpu.memory_space<hbm>> -> memref<100000x32xf32, #tpu.memory_space<hbm>>
      %dma_wait3A_516 = tpu.memref_slice %arg7[%dma_wait3A_507] : memref<8x!tpu.dma_semaphore, #tpu.memory_space<semaphore_mem>> -> memref<1x!tpu.dma_semaphore, #tpu.memory_space<semaphore_mem>>
      %dma_wait3A_517 = tpu.memref_squeeze %dma_wait3A_516 : memref<1x!tpu.dma_semaphore, #tpu.memory_space<semaphore_mem>> -> memref<!tpu.dma_semaphore, #tpu.memory_space<semaphore_mem>>
      tpu.wait_indirect_dma semaphore(%dma_wait3A_517 : memref<!tpu.dma_semaphore, #tpu.memory_space<semaphore_mem>>) src(%dma_wait3A_515 : memref<100000x32xf32, #tpu.memory_space<hbm>>) dst(%dma_wait3A_511 : memref<128x32xf32, #tpu.memory_space<vmem>>)
      %mul3A_518 = arith.constant 128 : i32
      %mul3A_519 = arith.muli %add3A_502, %mul3A_518 : i32
      %multiple_of3A_520 = tpu.assume_multiple %mul3A_519, 8 : i32
      %add3A_521 = arith.addi %mul3A_2, %multiple_of3A_520 : i32
      %dma_start3A_522 = arith.constant 6 : i32
      %dma_start3A_523 = arith.constant 6 : i32
      %dma_start3A_524 = arith.constant 0 : i32
      %dma_start3A_525 = arith.constant 0 : i32
      %dma_start3A_526 = tpu.memref_slice %arg6[%dma_start3A_522, %dma_start3A_524, %dma_start3A_525] : memref<8x128x32xf32, #tpu.memory_space<vmem>> -> memref<1x128x32xf32, #tpu.memory_space<vmem>>
      %dma_start3A_527 = tpu.memref_squeeze %dma_start3A_526 : memref<1x128x32xf32, #tpu.memory_space<vmem>> -> memref<128x32xf32, #tpu.memory_space<vmem>>
      %dma_start3A_528 = arith.constant 0 : i32
      %dma_start3A_529 = tpu.memref_slice %arg4[%add3A_521, %dma_start3A_528] : memref<819200x32xf32, #tpu.memory_space<hbm>> -> memref<128x32xf32, #tpu.memory_space<hbm>>
      %dma_start3A_530 = tpu.memref_slice %arg8[%dma_start3A_523] : memref<8x!tpu.dma_semaphore, #tpu.memory_space<semaphore_mem>> -> memref<1x!tpu.dma_semaphore, #tpu.memory_space<semaphore_mem>>
      %dma_start3A_531 = tpu.memref_squeeze %dma_start3A_530 : memref<1x!tpu.dma_semaphore, #tpu.memory_space<semaphore_mem>> -> memref<!tpu.dma_semaphore, #tpu.memory_space<semaphore_mem>>
      %dma_start3A_532 = arith.constant 0 : i32
      %dma_start3A_533 = tpu.memref_slice %arg4[%add3A_521, %dma_start3A_532] : memref<819200x32xf32, #tpu.memory_space<hbm>> -> memref<128x32xf32, #tpu.memory_space<hbm>>
      %dma_start3A_534 = arith.constant 0 : i32
      %dma_start3A_535 = arith.constant 0 : i32
      %dma_start3A_536 = tpu.memref_slice %arg6[%dma_start3A_522, %dma_start3A_534, %dma_start3A_535] : memref<8x128x32xf32, #tpu.memory_space<vmem>> -> memref<1x128x32xf32, #tpu.memory_space<vmem>>
      %dma_start3A_537 = tpu.memref_squeeze %dma_start3A_536 : memref<1x128x32xf32, #tpu.memory_space<vmem>> -> memref<128x32xf32, #tpu.memory_space<vmem>>
      tpu.enqueue_dma source(%dma_start3A_537 : memref<128x32xf32, #tpu.memory_space<vmem>>) target(%dma_start3A_533 : memref<128x32xf32, #tpu.memory_space<hbm>>) target_semaphore(%dma_start3A_531 : memref<!tpu.dma_semaphore, #tpu.memory_space<semaphore_mem>>)
      %mul3A_538 = arith.constant 128 : i32
      %mul3A_539 = arith.muli %add3A_502, %mul3A_538 : i32
      %multiple_of3A_540 = tpu.assume_multiple %mul3A_539, 8 : i32
      %add3A_541 = arith.addi %mul3A_2, %multiple_of3A_540 : i32
      %dma_wait3A_542 = arith.constant 6 : i32
      %dma_wait3A_543 = arith.constant 6 : i32
      %dma_wait3A_544 = arith.constant 0 : i32
      %dma_wait3A_545 = arith.constant 0 : i32
      %dma_wait3A_546 = tpu.memref_slice %arg6[%dma_wait3A_542, %dma_wait3A_544, %dma_wait3A_545] : memref<8x128x32xf32, #tpu.memory_space<vmem>> -> memref<1x128x32xf32, #tpu.memory_space<vmem>>
      %dma_wait3A_547 = tpu.memref_squeeze %dma_wait3A_546 : memref<1x128x32xf32, #tpu.memory_space<vmem>> -> memref<128x32xf32, #tpu.memory_space<vmem>>
      %dma_wait3A_548 = arith.constant 0 : i32
      %dma_wait3A_549 = tpu.memref_slice %arg4[%add3A_541, %dma_wait3A_548] : memref<819200x32xf32, #tpu.memory_space<hbm>> -> memref<128x32xf32, #tpu.memory_space<hbm>>
      %dma_wait3A_550 = tpu.memref_slice %arg8[%dma_wait3A_543] : memref<8x!tpu.dma_semaphore, #tpu.memory_space<semaphore_mem>> -> memref<1x!tpu.dma_semaphore, #tpu.memory_space<semaphore_mem>>
      %dma_wait3A_551 = tpu.memref_squeeze %dma_wait3A_550 : memref<1x!tpu.dma_semaphore, #tpu.memory_space<semaphore_mem>> -> memref<!tpu.dma_semaphore, #tpu.memory_space<semaphore_mem>>
      %dma_wait3A_552 = arith.constant 0 : i32
      %dma_wait3A_553 = tpu.memref_slice %arg4[%add3A_541, %dma_wait3A_552] : memref<819200x32xf32, #tpu.memory_space<hbm>> -> memref<128x32xf32, #tpu.memory_space<hbm>>
      %dma_wait3A_554 = arith.constant 0 : i32
      %dma_wait3A_555 = arith.constant 0 : i32
      %dma_wait3A_556 = tpu.memref_slice %arg6[%dma_wait3A_542, %dma_wait3A_554, %dma_wait3A_555] : memref<8x128x32xf32, #tpu.memory_space<vmem>> -> memref<1x128x32xf32, #tpu.memory_space<vmem>>
      %dma_wait3A_557 = tpu.memref_squeeze %dma_wait3A_556 : memref<1x128x32xf32, #tpu.memory_space<vmem>> -> memref<128x32xf32, #tpu.memory_space<vmem>>
      tpu.wait_dma2 semaphore(%dma_wait3A_551 : memref<!tpu.dma_semaphore, #tpu.memory_space<semaphore_mem>>) src(%dma_wait3A_557 : memref<128x32xf32, #tpu.memory_space<vmem>>) dst(%dma_wait3A_553 : memref<128x32xf32, #tpu.memory_space<hbm>>)
      %lt3A_558 = arith.constant 24 : i32
      %lt3A_559 = arith.cmpi slt, %scan3A_118, %lt3A_558 : i32
      %convert_element_type3A_560 = arith.extui %lt3A_559 : i1 to i32
      %cond3A_561 = arith.constant 0 : i32
      %cond3A_562 = arith.cmpi ne, %convert_element_type3A_560, %cond3A_561 : i32
      scf.if %cond3A_562 {
        %add3A_627 = arith.constant 8 : i32
        %add3A_628 = arith.addi %add3A_502, %add3A_627 : i32
        %mul3A_629 = arith.constant 128 : i32
        %mul3A_630 = arith.muli %add3A_628, %mul3A_629 : i32
        %multiple_of3A_631 = tpu.assume_multiple %mul3A_630, 8 : i32
        %dma_start3A_632 = arith.constant 6 : i32
        %dma_start3A_633 = arith.constant 6 : i32
        %dma_start3A_634 = arith.constant 0 : i32
        %dma_start3A_635 = arith.constant 0 : i32
        %dma_start3A_636 = tpu.memref_slice %arg6[%dma_start3A_632, %dma_start3A_634, %dma_start3A_635] : memref<8x128x32xf32, #tpu.memory_space<vmem>> -> memref<1x128x32xf32, #tpu.memory_space<vmem>>
        %dma_start3A_637 = tpu.memref_squeeze %dma_start3A_636 : memref<1x128x32xf32, #tpu.memory_space<vmem>> -> memref<128x32xf32, #tpu.memory_space<vmem>>
        %dma_start3A_638 = tpu.memref_slice %arg5[%multiple_of3A_631] : memref<25600xi32, #tpu.memory_space<vmem>> -> memref<128xi32, #tpu.memory_space<vmem>>
        %dma_start3A_639 = arith.constant 0 : i32
        %dma_start3A_640 = arith.constant 0 : i32
        %dma_start3A_641 = tpu.memref_slice %arg2[%dma_start3A_639, %dma_start3A_640] : memref<100000x32xf32, #tpu.memory_space<hbm>> -> memref<100000x32xf32, #tpu.memory_space<hbm>>
        %dma_start3A_642 = tpu.memref_slice %arg7[%dma_start3A_633] : memref<8x!tpu.dma_semaphore, #tpu.memory_space<semaphore_mem>> -> memref<1x!tpu.dma_semaphore, #tpu.memory_space<semaphore_mem>>
        %dma_start3A_643 = tpu.memref_squeeze %dma_start3A_642 : memref<1x!tpu.dma_semaphore, #tpu.memory_space<semaphore_mem>> -> memref<!tpu.dma_semaphore, #tpu.memory_space<semaphore_mem>>
        tpu.enqueue_indirect_dma source(%dma_start3A_641 : memref<100000x32xf32, #tpu.memory_space<hbm>>) target(%dma_start3A_637 : memref<128x32xf32, #tpu.memory_space<vmem>>) offsets(%dma_start3A_638 : memref<128xi32, #tpu.memory_space<vmem>>) semaphore(%dma_start3A_643 : memref<!tpu.dma_semaphore, #tpu.memory_space<semaphore_mem>>)
      } else {
      }
      %mul3A_563 = arith.constant 8 : i32
      %mul3A_564 = arith.muli %scan3A_118, %mul3A_563 : i32
      %add3A_565 = arith.constant 7 : i32
      %add3A_566 = arith.addi %mul3A_564, %add3A_565 : i32
      %mul3A_567 = arith.constant 128 : i32
      %mul3A_568 = arith.muli %add3A_566, %mul3A_567 : i32
      %multiple_of3A_569 = tpu.assume_multiple %mul3A_568, 8 : i32
      %dma_wait3A_570 = arith.constant 7 : i32
      %dma_wait3A_571 = arith.constant 7 : i32
      %dma_wait3A_572 = arith.constant 0 : i32
      %dma_wait3A_573 = arith.constant 0 : i32
      %dma_wait3A_574 = tpu.memref_slice %arg6[%dma_wait3A_570, %dma_wait3A_572, %dma_wait3A_573] : memref<8x128x32xf32, #tpu.memory_space<vmem>> -> memref<1x128x32xf32, #tpu.memory_space<vmem>>
      %dma_wait3A_575 = tpu.memref_squeeze %dma_wait3A_574 : memref<1x128x32xf32, #tpu.memory_space<vmem>> -> memref<128x32xf32, #tpu.memory_space<vmem>>
      %dma_wait3A_576 = tpu.memref_slice %arg5[%multiple_of3A_569] : memref<25600xi32, #tpu.memory_space<vmem>> -> memref<128xi32, #tpu.memory_space<vmem>>
      %dma_wait3A_577 = arith.constant 0 : i32
      %dma_wait3A_578 = arith.constant 0 : i32
      %dma_wait3A_579 = tpu.memref_slice %arg2[%dma_wait3A_577, %dma_wait3A_578] : memref<100000x32xf32, #tpu.memory_space<hbm>> -> memref<100000x32xf32, #tpu.memory_space<hbm>>
      %dma_wait3A_580 = tpu.memref_slice %arg7[%dma_wait3A_571] : memref<8x!tpu.dma_semaphore, #tpu.memory_space<semaphore_mem>> -> memref<1x!tpu.dma_semaphore, #tpu.memory_space<semaphore_mem>>
      %dma_wait3A_581 = tpu.memref_squeeze %dma_wait3A_580 : memref<1x!tpu.dma_semaphore, #tpu.memory_space<semaphore_mem>> -> memref<!tpu.dma_semaphore, #tpu.memory_space<semaphore_mem>>
      tpu.wait_indirect_dma semaphore(%dma_wait3A_581 : memref<!tpu.dma_semaphore, #tpu.memory_space<semaphore_mem>>) src(%dma_wait3A_579 : memref<100000x32xf32, #tpu.memory_space<hbm>>) dst(%dma_wait3A_575 : memref<128x32xf32, #tpu.memory_space<vmem>>)
      %mul3A_582 = arith.constant 128 : i32
      %mul3A_583 = arith.muli %add3A_566, %mul3A_582 : i32
      %multiple_of3A_584 = tpu.assume_multiple %mul3A_583, 8 : i32
      %add3A_585 = arith.addi %mul3A_2, %multiple_of3A_584 : i32
      %dma_start3A_586 = arith.constant 7 : i32
      %dma_start3A_587 = arith.constant 7 : i32
      %dma_start3A_588 = arith.constant 0 : i32
      %dma_start3A_589 = arith.constant 0 : i32
      %dma_start3A_590 = tpu.memref_slice %arg6[%dma_start3A_586, %dma_start3A_588, %dma_start3A_589] : memref<8x128x32xf32, #tpu.memory_space<vmem>> -> memref<1x128x32xf32, #tpu.memory_space<vmem>>
      %dma_start3A_591 = tpu.memref_squeeze %dma_start3A_590 : memref<1x128x32xf32, #tpu.memory_space<vmem>> -> memref<128x32xf32, #tpu.memory_space<vmem>>
      %dma_start3A_592 = arith.constant 0 : i32
      %dma_start3A_593 = tpu.memref_slice %arg4[%add3A_585, %dma_start3A_592] : memref<819200x32xf32, #tpu.memory_space<hbm>> -> memref<128x32xf32, #tpu.memory_space<hbm>>
      %dma_start3A_594 = tpu.memref_slice %arg8[%dma_start3A_587] : memref<8x!tpu.dma_semaphore, #tpu.memory_space<semaphore_mem>> -> memref<1x!tpu.dma_semaphore, #tpu.memory_space<semaphore_mem>>
      %dma_start3A_595 = tpu.memref_squeeze %dma_start3A_594 : memref<1x!tpu.dma_semaphore, #tpu.memory_space<semaphore_mem>> -> memref<!tpu.dma_semaphore, #tpu.memory_space<semaphore_mem>>
      %dma_start3A_596 = arith.constant 0 : i32
      %dma_start3A_597 = tpu.memref_slice %arg4[%add3A_585, %dma_start3A_596] : memref<819200x32xf32, #tpu.memory_space<hbm>> -> memref<128x32xf32, #tpu.memory_space<hbm>>
      %dma_start3A_598 = arith.constant 0 : i32
      %dma_start3A_599 = arith.constant 0 : i32
      %dma_start3A_600 = tpu.memref_slice %arg6[%dma_start3A_586, %dma_start3A_598, %dma_start3A_599] : memref<8x128x32xf32, #tpu.memory_space<vmem>> -> memref<1x128x32xf32, #tpu.memory_space<vmem>>
      %dma_start3A_601 = tpu.memref_squeeze %dma_start3A_600 : memref<1x128x32xf32, #tpu.memory_space<vmem>> -> memref<128x32xf32, #tpu.memory_space<vmem>>
      tpu.enqueue_dma source(%dma_start3A_601 : memref<128x32xf32, #tpu.memory_space<vmem>>) target(%dma_start3A_597 : memref<128x32xf32, #tpu.memory_space<hbm>>) target_semaphore(%dma_start3A_595 : memref<!tpu.dma_semaphore, #tpu.memory_space<semaphore_mem>>)
      %mul3A_602 = arith.constant 128 : i32
      %mul3A_603 = arith.muli %add3A_566, %mul3A_602 : i32
      %multiple_of3A_604 = tpu.assume_multiple %mul3A_603, 8 : i32
      %add3A_605 = arith.addi %mul3A_2, %multiple_of3A_604 : i32
      %dma_wait3A_606 = arith.constant 7 : i32
      %dma_wait3A_607 = arith.constant 7 : i32
      %dma_wait3A_608 = arith.constant 0 : i32
      %dma_wait3A_609 = arith.constant 0 : i32
      %dma_wait3A_610 = tpu.memref_slice %arg6[%dma_wait3A_606, %dma_wait3A_608, %dma_wait3A_609] : memref<8x128x32xf32, #tpu.memory_space<vmem>> -> memref<1x128x32xf32, #tpu.memory_space<vmem>>
      %dma_wait3A_611 = tpu.memref_squeeze %dma_wait3A_610 : memref<1x128x32xf32, #tpu.memory_space<vmem>> -> memref<128x32xf32, #tpu.memory_space<vmem>>
      %dma_wait3A_612 = arith.constant 0 : i32
      %dma_wait3A_613 = tpu.memref_slice %arg4[%add3A_605, %dma_wait3A_612] : memref<819200x32xf32, #tpu.memory_space<hbm>> -> memref<128x32xf32, #tpu.memory_space<hbm>>
      %dma_wait3A_614 = tpu.memref_slice %arg8[%dma_wait3A_607] : memref<8x!tpu.dma_semaphore, #tpu.memory_space<semaphore_mem>> -> memref<1x!tpu.dma_semaphore, #tpu.memory_space<semaphore_mem>>
      %dma_wait3A_615 = tpu.memref_squeeze %dma_wait3A_614 : memref<1x!tpu.dma_semaphore, #tpu.memory_space<semaphore_mem>> -> memref<!tpu.dma_semaphore, #tpu.memory_space<semaphore_mem>>
      %dma_wait3A_616 = arith.constant 0 : i32
      %dma_wait3A_617 = tpu.memref_slice %arg4[%add3A_605, %dma_wait3A_616] : memref<819200x32xf32, #tpu.memory_space<hbm>> -> memref<128x32xf32, #tpu.memory_space<hbm>>
      %dma_wait3A_618 = arith.constant 0 : i32
      %dma_wait3A_619 = arith.constant 0 : i32
      %dma_wait3A_620 = tpu.memref_slice %arg6[%dma_wait3A_606, %dma_wait3A_618, %dma_wait3A_619] : memref<8x128x32xf32, #tpu.memory_space<vmem>> -> memref<1x128x32xf32, #tpu.memory_space<vmem>>
      %dma_wait3A_621 = tpu.memref_squeeze %dma_wait3A_620 : memref<1x128x32xf32, #tpu.memory_space<vmem>> -> memref<128x32xf32, #tpu.memory_space<vmem>>
      tpu.wait_dma2 semaphore(%dma_wait3A_615 : memref<!tpu.dma_semaphore, #tpu.memory_space<semaphore_mem>>) src(%dma_wait3A_621 : memref<128x32xf32, #tpu.memory_space<vmem>>) dst(%dma_wait3A_617 : memref<128x32xf32, #tpu.memory_space<hbm>>)
      %lt3A_622 = arith.constant 24 : i32
      %lt3A_623 = arith.cmpi slt, %scan3A_118, %lt3A_622 : i32
      %convert_element_type3A_624 = arith.extui %lt3A_623 : i1 to i32
      %cond3A_625 = arith.constant 0 : i32
      %cond3A_626 = arith.cmpi ne, %convert_element_type3A_624, %cond3A_625 : i32
      scf.if %cond3A_626 {
        %add3A_627 = arith.constant 8 : i32
        %add3A_628 = arith.addi %add3A_566, %add3A_627 : i32
        %mul3A_629 = arith.constant 128 : i32
        %mul3A_630 = arith.muli %add3A_628, %mul3A_629 : i32
        %multiple_of3A_631 = tpu.assume_multiple %mul3A_630, 8 : i32
        %dma_start3A_632 = arith.constant 7 : i32
        %dma_start3A_633 = arith.constant 7 : i32
        %dma_start3A_634 = arith.constant 0 : i32
        %dma_start3A_635 = arith.constant 0 : i32
        %dma_start3A_636 = tpu.memref_slice %arg6[%dma_start3A_632, %dma_start3A_634, %dma_start3A_635] : memref<8x128x32xf32, #tpu.memory_space<vmem>> -> memref<1x128x32xf32, #tpu.memory_space<vmem>>
        %dma_start3A_637 = tpu.memref_squeeze %dma_start3A_636 : memref<1x128x32xf32, #tpu.memory_space<vmem>> -> memref<128x32xf32, #tpu.memory_space<vmem>>
        %dma_start3A_638 = tpu.memref_slice %arg5[%multiple_of3A_631] : memref<25600xi32, #tpu.memory_space<vmem>> -> memref<128xi32, #tpu.memory_space<vmem>>
        %dma_start3A_639 = arith.constant 0 : i32
        %dma_start3A_640 = arith.constant 0 : i32
        %dma_start3A_641 = tpu.memref_slice %arg2[%dma_start3A_639, %dma_start3A_640] : memref<100000x32xf32, #tpu.memory_space<hbm>> -> memref<100000x32xf32, #tpu.memory_space<hbm>>
        %dma_start3A_642 = tpu.memref_slice %arg7[%dma_start3A_633] : memref<8x!tpu.dma_semaphore, #tpu.memory_space<semaphore_mem>> -> memref<1x!tpu.dma_semaphore, #tpu.memory_space<semaphore_mem>>
        %dma_start3A_643 = tpu.memref_squeeze %dma_start3A_642 : memref<1x!tpu.dma_semaphore, #tpu.memory_space<semaphore_mem>> -> memref<!tpu.dma_semaphore, #tpu.memory_space<semaphore_mem>>
        tpu.enqueue_indirect_dma source(%dma_start3A_641 : memref<100000x32xf32, #tpu.memory_space<hbm>>) target(%dma_start3A_637 : memref<128x32xf32, #tpu.memory_space<vmem>>) offsets(%dma_start3A_638 : memref<128xi32, #tpu.memory_space<vmem>>) semaphore(%dma_start3A_643 : memref<!tpu.dma_semaphore, #tpu.memory_space<semaphore_mem>>)
      } else {
      }
    }
    %scan3A_117 = arith.constant 25 : i32
    return
  }
}

</mosaic_0001>

<sc_bundles>
// kernel: _sc_gather.3.cloned.1.call-start
scs
__scs_entry_jumppad:
0x0: {  	(pc) =	sbr.rel $0x88, $3  }
0x1: {  	(tag) =	ssettag $0x0;
	lr =	simm.s32 $0x1  }
0x2: {  	[smem:$0x3F9F] =	sst lr;
	_ =	strace $0xD0000000  }
0x3: {  	_ = 	snop  }
0x4: {  	_ = 	snop  }
0x5: {  	_ = 	snop  }
0x6: {  	_ = 	snop  }
0x7: {  	_ = 	snop  }
__scs_overlays_trampoline_lowered:
0x8: {  	[smem:$0x3FAE] =	sst s0  }
0x9: {  	[smem:$0x3FAF] =	sst s1  }
0xa: {  	[smem:$0x3FB0] =	sst s2  }
0xb: {  	[smem:$0x3FB1] =	sst s3  }
0xc: {  	[smem:$0x3FB2] =	sst s4  }
0xd: {  	[smem:$0x3FB3] =	sst s5  }
0xe: {  	[smem:$0x3FB4] =	sst s6  }
0xf: {  	[smem:$0x3FB5] =	sst s7  }
0x10: {  	[smem:$0x3FB6] =	sst s8  }
0x11: {  	[smem:$0x3FB7] =	sst s9;
	s0 =	simm.s32 @!p0 $0x0  }
0x12: {  	s1 =	sld [smem:$0x3F9D];
	s0 =	simm.s32 @p0 $0x1  }
0x13: {  	[smem:$0x3FB8] =	sst s0;
	s0 =	simm.s32 @!p1 $0x0  }
0x14: {  	s2 =	sld [smem:$0x3F9C];
	s0 =	simm.s32 @p1 $0x1  }
0x15: {  	[smem:$0x3FB9] =	sst s0;
	s0 =	simm.s32 @!p2 $0x0  }
0x16: {  	s3 =	sld [smem:$0x3FDB];
	s0 =	simm.s32 @p2 $0x1  }
0x17: {  	s4 =	simm.s32 $0x1BF5;
	[smem:$0x3FBB] =	sst s0  }
0x18: {  	s0 =	sld [smem:$0x3F9E];
	_ =	swait.ge [sflag:s4], $0x0  }
0x19: {  	s7 =	sld [smem:$0x3F9F]  }
0x1a: {  	s8 =	sadd.s32 $0xFFFFE003, lr  }
0x1b: {  	s9 =	sadd.s32 $0xFFFFFEF7, lr;
	s5 =	simm.s32 $0xFFFFFFFF;
	p2 =	slt.u32 s8, $0xFFFFF086  }
0x1c: {  	p1 =	slt.u32 s9, $0xF7A;
	s5 =	simm.s32 @!p2 $0x0  }
0x1d: {  	s5 =	simm.s32 @p1 $0x1;
	p0 =	seq.s32 s7, s2  }
0x1e: {  	s7 =	smul.u32 @!p0 $0xF7A, s2;
	p2 =	seq.s32 @!p0 s5, $0x0  }
0x1f: {  	s9 =	smul.u32 $0xF7A, s1;
	s8 =	simm.s32 @!p0 $0x1BF5;
	p2 =	por !p2, p0  }
0x20: {  	[sflag:s8] =	ssyncset.s32 @!p0 $0xFFFFF086;
	s6 =	sadd.s32 @!p0 s3, s7;
	s7 =	simm.s32 @!p0 $0x108  }
0x21: {  	s3 =	sadd.s32 s3, s9;
	s6 =	sadd.s32 @!p0 $0x88, s6;
	s7 =	simm.s32 @p2 $0x1082  }
0x22: {  	[simem:s7], [sflag:s8] =	dma.local @!p0 [hbm:s6], $0xF7A  }
0x23: {  	s9 =	sor.u32 $0xD0000000, s2;
	s6 =	simm.s32 $0x108;
	_ =	swait.ge @!p0 [sflag:s8], $0x0  }
0x24: {  	s3 =	sadd.s32 $0x88, s3;
	s6 =	simm.s32 @!p1 $0x1082;
	[sflag:s4] =	ssyncset.s32 $0xFFFFF086  }
0x25: {  	[simem:s6], [sflag:s4] =	dma.local [hbm:s3], $0xF7A  }
0x26: {  	[smem:$0x3F9F] =	sst s1;
	(tag) =	ssettag s2;
	_ =	strace s9  }
0x27: {  	s1 =	sld [smem:$0x3FAF]  }
0x28: {  	s2 =	sld [smem:$0x3FB0]  }
0x29: {  	s4 =	sld [smem:$0x3FB2]  }
0x2a: {  	p0 =	seq.s32 s5, $0x0;
	s5 =	sld [smem:$0x3FB3]  }
0x2b: {  	s6 =	sld [smem:$0x3FB4]  }
0x2c: {  	s7 =	sld [smem:$0x3FB5]  }
0x2d: {  	s3 =	simm.s32 $0x108;
	s8 =	sld [smem:$0x3FB6]  }
0x2e: {  	s3 =	simm.s32 @!p0 $0x1082;
	s9 =	sld [smem:$0x3FB7]  }
0x2f: {  	lr =	sadd.s32 s0, s3;
	s0 =	sld [smem:$0x3FAE]  }
0x30: {  	s3 =	sld [smem:$0x3FB1]  }
0x31: {  	[smem:$0x3FBA] =	sst s10  }
0x32: {  	s10 =	sld [smem:$0x3FB8];
	_ =	sdelay $0x3  }
0x33: {  	p0 =	seq.s32 s10, $0x1;
	s10 =	sld [smem:$0x3FBA];
	_ =	sdelay $0x3  }
0x34: {  	[smem:$0x3FBA] =	sst s10  }
0x35: {  	s10 =	sld [smem:$0x3FB9];
	_ =	sdelay $0x3  }
0x36: {  	p1 =	seq.s32 s10, $0x1;
	s10 =	sld [smem:$0x3FBA];
	_ =	sdelay $0x3  }
0x37: {  	[smem:$0x3FBA] =	sst s10  }
0x38: {  	s10 =	sld [smem:$0x3FBB]  }
0x39: {  	_ = 	snop;
	(pc) =	sbr.ind lr, $3  }
0x3a: {  	_ = 	snop  }
0x3b: {  	_ = 	snop  }
0x3c: {  	p2 =	seq.s32 s10, $0x1;
	s10 =	sld [smem:$0x3FBA]  }
0x3d: {  	_ =	shalt  }
0x3e: {  	_ =	shalt  }
0x3f: {  	_ =	shalt  }
0x40: {  	_ =	shalt  }
0x41: {  	_ =	shalt  }
0x42: {  	_ =	shalt  }
0x43: {  	_ =	shalt  }
0x44: {  	_ =	shalt  }
0x45: {  	_ =	shalt  }
0x46: {  	_ =	shalt  }
0x47: {  	_ =	shalt  }
0x48: {  	_ =	shalt  }
0x49: {  	_ =	shalt  }
0x4a: {  	_ =	shalt  }
0x4b: {  	_ =	shalt  }
0x4c: {  	_ =	shalt  }
0x4d: {  	_ =	shalt  }
0x4e: {  	_ =	shalt  }
0x4f: {  	_ =	shalt  }
0x50: {  	_ =	shalt  }
0x51: {  	_ =	shalt  }
0x52: {  	_ =	shalt  }
0x53: {  	_ =	shalt  }
0x54: {  	_ =	shalt  }
0x55: {  	_ =	shalt  }
0x56: {  	_ =	shalt  }
0x57: {  	_ =	shalt  }
0x58: {  	_ =	shalt  }
0x59: {  	_ =	shalt  }
0x5a: {  	_ =	shalt  }
0x5b: {  	_ =	shalt  }
0x5c: {  	_ =	shalt  }
0x5d: {  	_ =	shalt  }
0x5e: {  	_ =	shalt  }
0x5f: {  	_ =	shalt  }
0x60: {  	_ =	shalt  }
0x61: {  	_ =	shalt  }
0x62: {  	_ =	shalt  }
0x63: {  	_ =	shalt  }
0x64: {  	_ =	shalt  }
0x65: {  	_ =	shalt  }
0x66: {  	_ =	shalt  }
0x67: {  	_ =	shalt  }
0x68: {  	_ =	shalt  }
0x69: {  	_ =	shalt  }
0x6a: {  	_ =	shalt  }
0x6b: {  	_ =	shalt  }
0x6c: {  	_ =	shalt  }
0x6d: {  	_ =	shalt  }
0x6e: {  	_ =	shalt  }
0x6f: {  	_ =	shalt  }
0x70: {  	_ =	shalt  }
0x71: {  	_ =	shalt  }
0x72: {  	_ =	shalt  }
0x73: {  	_ =	shalt  }
0x74: {  	_ =	shalt  }
0x75: {  	_ =	shalt  }
0x76: {  	_ =	shalt  }
0x77: {  	_ =	shalt  }
0x78: {  	_ =	shalt  }
0x79: {  	_ =	shalt  }
0x7a: {  	_ =	shalt  }
0x7b: {  	_ =	shalt  }
0x7c: {  	_ =	shalt  }
0x7d: {  	_ =	shalt  }
0x7e: {  	_ =	shalt  }
0x7f: {  	_ =	shalt  }
0x80: {  	_ =	shalt  }
0x81: {  	_ =	shalt  }
0x82: {  	_ =	shalt  }
0x83: {  	_ =	shalt  }
0x84: {  	_ =	shalt  }
0x85: {  	_ =	shalt  }
0x86: {  	_ =	shalt  }
0x87: {  	_ =	shalt  }
.Lfunc_end0:
.L_simem_size_0:
called_computation.1_lowered:
.L_overlay_start_0:
0x88: {  	s2 =	sld [smem:$0x3FD9]  }
0x89: {  	s3 =	sld [smem:$0x3FFE];
	_ =	sdelay $0x1  }
0x8a: {  	s1 =	srdreg.scid  }
0x8b: {  	s0 =	sand.u32 $0x1, s1  }
0x8c: {  	s17 =	sshll.u32 s0, $0xA;
	s2 =	sadd.s32 s3, s2  }
0x8d: {  	s2 =	sadd.s32 s2, s17  }
0x8e: {  	[smem:$0x3FC6] =	sst s2  }
0x8f: {  	_ = 	snop  }
0x90: {  	s2 =	sld [smem:$0x3FC8]  }
0x91: {  	s18 =	sld [smem:$0x3FD0];
	(tm) =	ssettm $0x1  }
0x92: {  	s4 =	sld [smem:$0x3FFB];
	_ =	sdelay $0x3  }
0x93: {  	_ =	strace s4  }
0x94: {  	s4 =	sld [smem:$0x3FFC];
	_ =	sdelay $0x3  }
0x95: {  	_ =	strace s4  }
0x96: {  	s4 =	sld [smem:$0x3FFD];
	_ =	sdelay $0x3  }
0x97: {  	_ =	strace s4  }
0x98: {  	_ =	strace $0x8FFFFFFF  }
0x99: {  	s19 =	sld [smem:$0x3FDB];
	_ =	sdelay $0x1  }
0x9a: {  	s5 =	simm.s32 $_scs_section_size  }
0x9b: {  	s6 =	simm.s32 $_size__tile_overlayer_lowered;
	s7 =	simm.s32 $_tile_overlayer_lowered  }
0x9c: {  	s22 =	simm.s32 $0x1BFF;
	s21 =	sshll.u32 s7, $0x1;
	s4 =	sadd.s32 s5, s19  }
0x9d: {  	s8 =	simm.s32 $0x0;
	s20 =	sshll.u32 s6, $0x1;
	s6 =	sadd.s32 s21, s4  }
0x9e: {  	[timem:s8], [sflag:s22] =	dma.local [hbm:s6], s20  }
0x9f: {  	_ =	swait.ge [sflag:s22], s20  }
0xa0: {  	s5 =	ssub.s32 $0x0, s20;
	[sflag:s22] =	ssyncset.done $0x0  }
0xa1: {  	[sflag:s22] =	ssyncadd.s32 s5;
	_ =	sdelay $0x1  }
0xa2: {  	s23 =	simm.s32 $0x1B8B  }
0xa3: {  	_ =	swait.ge [sflag:s23], $0x1  }
0xa4: {  	[sflag:s23] =	ssyncset.done $0x0  }
0xa5: {  	s25 =	simm.s32 $0x1B8E;
	s24 =	sld [smem:$0x3FFE];
	[sflag:s23] =	ssyncadd.s32 $0xFFFFFFFF  }
0xa6: {  	s26 =	simm.s32 $execute0_lowered;
	[smem:$0x3FD2] =	sst s25  }
0xa7: {  	s6 =	sshll.u32 s26, $0x1;
	_ =	strace $0x80000046;
	[dreg:$0x1] =	wrdreg $0xFFFFFFFF  }
0xa8: {  	s28 =	simm.s32 $_size_execute0_lowered;
	s4 =	sadd.s32 s4, s6;
	[dreg:$0x0] =	wrdreg $0x0  }
0xa9: {  	s6 =	sshll.u32 s28, $0x1;
	[dreg:$0x2] =	wrdreg s4  }
0xaa: {  	[dreg:$0x3] =	wrdreg s6  }
0xab: {  	[dreg:$0x4] =	wrdreg $0xC0  }
0xac: {  	_ =	task [dreg:s8], $0x5FFFF  }
0xad: {  	[dreg:$0x1] =	wrdreg $0xFFFFFFFF  }
0xae: {  	[dreg:$0x0] =	wrdreg $0x60  }
0xaf: {  	[dreg:$0x2] =	wrdreg s24  }
0xb0: {  	[dreg:$0x3] =	wrdreg s2  }
0xb1: {  	[dreg:$0x4] =	wrdreg s18  }
0xb2: {  	[dreg:$0x5] =	wrdreg $0x9  }
0xb3: {  	_ =	task.clear_ibuf [dreg:s8], $0x6FFFF;
	_ =	strace $0x90000046  }
0xb4: {  	s29 =	simm.s32 $0x9;
	_ =	strace $0x80000048  }
0xb5: {  	_ =	swait.ge [sflag:s29], $0x1  }
0xb6: {  	[sflag:s29] =	ssyncadd.s32 $0xFFFFFFFF  }
0xb7: {  	_ =	strace $0x90000048  }
0xb8: {  	_ =	sfence  }
0xb9: {  	s30 =	sld [smem:$0x0];
	_ =	sdelay $0x2  }
0xba: {  	s31 =	sshll.u32 s1, $0xD;
	s1 =	sshrl.u32 s1, $0x2  }
0xbb: {  	s3 =	sand.u32 $0x4000, s31;
	s1 =	sadd.s32 s1, s30  }
0xbc: {  	s0 =	sor.u32 s3, s0;
	s1 =	sshll.u32 s1, $0x11  }
0xbd: {  	s0 =	sor.u32 s1, s0  }
0xbe: {  	s0 =	sadd.s32 $0x8F2B, s0  }
0xbf: {  	[sflag:s0] =	ssyncadd.remote.s32 $0x1  }
0xc0: {  	_ =	sfence.sel $0xFFFF  }
0xc1: {  	[dreg:$0x0] =	wrdreg $0xFFFFFFFF;
	(pc) =	sbr.abs _section_cstart, $3  }
0xc2: {  	[dreg:$0x1] =	wrdreg $0xFFFFFFFF  }
0xc3: {  	_ =	task.clear_ibuf [dreg:s8], $0x2FFFF;
	_ =	strace $0x9FFFFFFF  }
0xc4: {  	(tm) =	ssettm $0x7FFFFFFF  }
0xc5: {  	_ =	shalt  }
tec
execute0_lowered:
.L_overlay_start_1:
0x0: {  	(tag) =	ssettag $0x1  }
0x1: {  	s0 =	srdreg.scid;
	s3 =	rddreg [dreg:$0x0]  }
0x2: {  	s7 =	stileid.u32;
	s4 =	rddreg [dreg:$0x1]  }
0x3: {  	s5 =	rddreg [dreg:$0x2];
	s2 =	simm.s32 $0x0;
	s30 =	simm.s32 $0xD400  }
0x4: {  	s31 =	simm.s32 $0x1;
	s18 =	simm.s32 $0xA;
	s20 =	simm.s32 $0x3  }
0x5: {  	s22 =	simm.s32 $0xB;
	s24 =	simm.s32 $0x4;
	s29 =	simm.s32 $0x5  }
0x6: {  	s14 =	simm.s32 $0xE;
	s16 =	simm.s32 $0x7;
	s17 =	simm.s32 $0xF  }
0x7: {  	s19 =	simm.s32 $0x8;
	s21 =	simm.s32 $0x10;
	s6 =	smul.u32 $0x190000, s7  }
0x8: {  	s0 =	sand.u32 $0x1, s0;
	s1 =	sshll.u32 s7, $0x1;
	s7 =	smul.u32 $0xC800, s7  }
0x9: {  	s15 =	simm.s32 $0x0;
	[smem:$0x7FF] =	sst s2;
	s9 =	smul.u32 $0x6400, s0  }
0xa: {  	s1 =	sor.u32 s0, s1;
	s8 =	ssub.s32 $0x2, s0;
	s0 =	smul.u32 $0xC8000, s0  }
0xb: {  	s3 =	sadd.s32 $0x800, s3;
	s1 =	smul.u32 $0x6400, s1;
	s10 =	sshrl.u32 s8, $0x1  }
0xc: {  	_ =	strace $0x80000047;
	s8 =	ssub.s32 s8, s10;
	s7 =	sadd.s32 s9, s7  }
0xd: {  	s0 =	sadd.s32 s0, s6;
	s1 =	sshrl.u32 s1, $0x3;
	s25 =	sshll.u32 s7, $0x2  }
0xe: {  	s0 =	sshrl.u32 s0, $0x3;
	s28 =	smax.u32 s8, $0x1;
	s1 =	sadd.s32 s4, s1  }
0xf: {  	s26 =	sadd.s32 s25, s5;
	[dreg:$0x5] =	wrdreg s28;
	s0 =	sadd.s32 s0, s5  }
.Ltmp0:
0x10: {  	s4 =	simm.s32 $0xD;
	[dreg:$0x4] =	wrdreg s1;
	(pc) =	sbr.rel .LBB2_1-.Ltmp0, $4  }
0x11: {  	s5 =	simm.s32 $0x6;
	[dreg:$0x6] =	wrdreg s0;
	s7 =	sadd.s32 $0xE00, s26  }
0x12: {  	s8 =	sadd.s32 $0xC00, s26;
	s9 =	sadd.s32 $0xA00, s26;
	s10 =	sadd.s32 $0x800, s26  }
0x13: {  	s11 =	sadd.s32 $0x600, s26;
	s12 =	sadd.s32 $0x400, s26;
	s13 =	sadd.s32 $0x200, s26  }
0x14: {  	s1 =	simm.s32 $0x9;
	s0 =	simm.s32 $0x2;
	s26 =	simm.s32 $0xC  }
.LBB2_4:
0x15: {  	s15 =	rddreg [dreg:$0x7]  }
0x16: {  	s6 =	rddreg [dreg:$0x5];
	s15 =	sadd.s32 $0x1, s15  }
0x17: {  	p0 =	sne.s32 s15, s6  }
.Ltmp1:
0x18: {  	_ = 	snop;
	(pc) =	sbr.rel @!p0 .LBB2_5-.Ltmp1, $1  }
0x19: {  	_ =	sdelay $0x3  }
.LBB2_1:
0x1a: {  	[dreg:$0x7] =	wrdreg s15  }
0x1b: {  	s6 =	rddreg [dreg:$0x4];
	s15 =	simm.s32 $0x11  }
0x1c: {  	[tilespmem:s2], [sflag:$0x11] =	stream.linear.gather [hbm4b:s6+s2], $0x6400, $0x38;
	[tilespmem:$0xE400] =	vst v63  }
0x1d: {  	_ =	swait.ge [sflag:s15], $0x6400  }
0x1e: {  	[sflag:s15] =	ssyncset.done $0x0  }
0x1f: {  	s23 =	simm.s32 $0x6400;
	s6 =	simm.s32 $0x80;
	[sflag:s15] =	ssyncadd.s32 $0xFFFF9C00  }
0x20: {  	[tilespmem:s23], [sflag:$0x1] =	stream.indirect.gather [hbm4b:s3+s6], $0x20, s2, s6, $0xb8;
	[tilespmem:$0xE400] =	vst v63  }
0x21: {  	s25 =	simm.s32 $0x7400  }
0x22: {  	[tilespmem:s25], [sflag:$0x2] =	stream.indirect.gather [hbm4b:s3+s6], $0x20, s6, s6, $0xb8;
	[tilespmem:$0xE400] =	vst v63  }
0x23: {  	s28 =	simm.s32 $0x100;
	s23 =	simm.s32 $0x8400  }
0x24: {  	[tilespmem:s23], [sflag:$0x3] =	stream.indirect.gather [hbm4b:s3+s6], $0x20, s28, s6, $0xb8;
	[tilespmem:$0xE400] =	vst v63  }
0x25: {  	s25 =	simm.s32 $0x180;
	s28 =	simm.s32 $0x9400  }
0x26: {  	[tilespmem:s28], [sflag:$0x4] =	stream.indirect.gather [hbm4b:s3+s6], $0x20, s25, s6, $0xb8;
	[tilespmem:$0xE400] =	vst v63  }
0x27: {  	s25 =	simm.s32 $0x200;
	s28 =	simm.s32 $0xA400  }
0x28: {  	[tilespmem:s28], [sflag:$0x5] =	stream.indirect.gather [hbm4b:s3+s6], $0x20, s25, s6, $0xb8;
	[tilespmem:$0xE400] =	vst v63  }
0x29: {  	s25 =	simm.s32 $0x280;
	s28 =	simm.s32 $0xB400  }
0x2a: {  	[tilespmem:s28], [sflag:$0x6] =	stream.indirect.gather [hbm4b:s3+s6], $0x20, s25, s6, $0xb8;
	[tilespmem:$0xE400] =	vst v63  }
0x2b: {  	s23 =	simm.s32 $0x300;
	s25 =	simm.s32 $0xC400  }
0x2c: {  	[tilespmem:s25], [sflag:$0x7] =	stream.indirect.gather [hbm4b:s3+s6], $0x20, s23, s6, $0xb8;
	[tilespmem:$0xE400] =	vst v63  }
0x2d: {  	s28 =	simm.s32 $0x380;
	s23 =	simm.s32 $0x0  }
0x2e: {  	[tilespmem:s30], [sflag:$0x8] =	stream.indirect.gather [hbm4b:s3+s6], $0x20, s28, s6, $0xb8;
	[tilespmem:$0xE400] =	vst v63  }
.LBB2_2:
0x2f: {  	_ =	swait.ge [sflag:s31], $0x1000  }
0x30: {  	[sflag:s31] =	ssyncset.done $0x0;
	s6 =	rddreg [dreg:$0x6]  }
0x31: {  	s15 =	simm.s32 $0x6400;
	[sflag:s31] =	ssyncadd.s32 $0xFFFFF000;
	s25 =	sadd.s32 s23, s6  }
0x32: {  	[hbm4b:s25+s2] =	stream.linear.scatter [tilespmem:s15], [sflag:$0x9], $0x1000, $0x38;
	[tilespmem:$0xE400] =	vst v63  }
0x33: {  	p0 =	seq.s32 s23, $0x18000;
	_ =	swait.ge [sflag:s1], $0x1000  }
0x34: {  	s28 =	simm.s32 @!p0 $0x80;
	s25 =	sshra.s32 @!p0 s23, $0x2;
	[sflag:s1] =	ssyncset.done $0x0  }
0x35: {  	s6 =	simm.s32 @!p0 $0x6400;
	s15 =	sadd.s32 @!p0 $0x400, s25;
	[sflag:s1] =	ssyncadd.s32 $0xFFFFF000  }
0x36: {  	[tilespmem:s6], [sflag:$0x1] =	stream.indirect.gather @!p0 [hbm4b:s3+s28], $0x20, s15, s28, $0xb8;
	[tilespmem:$0xE400] =	vst v63  }
0x37: {  	_ =	swait.ge [sflag:s0], $0x1000  }
0x38: {  	[sflag:s0] =	ssyncset.done $0x0  }
0x39: {  	s6 =	sadd.s32 s23, s13;
	s15 =	simm.s32 $0x7400;
	[sflag:s0] =	ssyncadd.s32 $0xFFFFF000  }
0x3a: {  	[hbm4b:s6+s2] =	stream.linear.scatter [tilespmem:s15], [sflag:$0xA], $0x1000, $0x38;
	[tilespmem:$0xE400] =	vst v63  }
0x3b: {  	_ =	swait.ge [sflag:s18], $0x1000  }
0x3c: {  	[sflag:s18] =	ssyncset.done $0x0  }
0x3d: {  	s6 =	sadd.s32 @!p0 $0x480, s25;
	s15 =	simm.s32 @!p0 $0x7400;
	[sflag:s18] =	ssyncadd.s32 $0xFFFFF000  }
0x3e: {  	[tilespmem:s15], [sflag:$0x2] =	stream.indirect.gather @!p0 [hbm4b:s3+s28], $0x20, s6, s28, $0xb8;
	[tilespmem:$0xE400] =	vst v63  }
0x3f: {  	_ =	swait.ge [sflag:s20], $0x1000  }
0x40: {  	[sflag:s20] =	ssyncset.done $0x0  }
0x41: {  	s6 =	sadd.s32 s23, s12;
	s15 =	simm.s32 $0x8400;
	[sflag:s20] =	ssyncadd.s32 $0xFFFFF000  }
0x42: {  	[hbm4b:s6+s2] =	stream.linear.scatter [tilespmem:s15], [sflag:$0xB], $0x1000, $0x38;
	[tilespmem:$0xE400] =	vst v63  }
0x43: {  	_ =	swait.ge [sflag:s22], $0x1000  }
0x44: {  	[sflag:s22] =	ssyncset.done $0x0  }
0x45: {  	s6 =	sadd.s32 @!p0 $0x500, s25;
	s15 =	simm.s32 @!p0 $0x8400;
	[sflag:s22] =	ssyncadd.s32 $0xFFFFF000  }
0x46: {  	[tilespmem:s15], [sflag:$0x3] =	stream.indirect.gather @!p0 [hbm4b:s3+s28], $0x20, s6, s28, $0xb8;
	[tilespmem:$0xE400] =	vst v63  }
0x47: {  	_ =	swait.ge [sflag:s24], $0x1000  }
0x48: {  	[sflag:s24] =	ssyncset.done $0x0  }
0x49: {  	s6 =	sadd.s32 s23, s11;
	s15 =	simm.s32 $0x9400;
	[sflag:s24] =	ssyncadd.s32 $0xFFFFF000  }
0x4a: {  	[hbm4b:s6+s2] =	stream.linear.scatter [tilespmem:s15], [sflag:$0xC], $0x1000, $0x38;
	[tilespmem:$0xE400] =	vst v63  }
0x4b: {  	_ =	swait.ge [sflag:s26], $0x1000  }
0x4c: {  	[sflag:s26] =	ssyncset.done $0x0  }
0x4d: {  	s6 =	sadd.s32 @!p0 $0x580, s25;
	s15 =	simm.s32 @!p0 $0x9400;
	[sflag:s26] =	ssyncadd.s32 $0xFFFFF000  }
0x4e: {  	[tilespmem:s15], [sflag:$0x4] =	stream.indirect.gather @!p0 [hbm4b:s3+s28], $0x20, s6, s28, $0xb8;
	[tilespmem:$0xE400] =	vst v63  }
0x4f: {  	_ =	swait.ge [sflag:s29], $0x1000  }
0x50: {  	[sflag:s29] =	ssyncset.done $0x0  }
0x51: {  	s6 =	sadd.s32 s23, s10;
	s15 =	simm.s32 $0xA400;
	[sflag:s29] =	ssyncadd.s32 $0xFFFFF000  }
0x52: {  	[hbm4b:s6+s2] =	stream.linear.scatter [tilespmem:s15], [sflag:$0xD], $0x1000, $0x38;
	[tilespmem:$0xE400] =	vst v63  }
0x53: {  	_ =	swait.ge [sflag:s4], $0x1000  }
0x54: {  	[sflag:s4] =	ssyncset.done $0x0  }
0x55: {  	s6 =	sadd.s32 @!p0 $0x600, s25;
	s15 =	simm.s32 @!p0 $0xA400;
	[sflag:s4] =	ssyncadd.s32 $0xFFFFF000  }
0x56: {  	[tilespmem:s15], [sflag:$0x5] =	stream.indirect.gather @!p0 [hbm4b:s3+s28], $0x20, s6, s28, $0xb8;
	[tilespmem:$0xE400] =	vst v63  }
0x57: {  	_ =	swait.ge [sflag:s5], $0x1000  }
0x58: {  	[sflag:s5] =	ssyncset.done $0x0  }
0x59: {  	s6 =	sadd.s32 s23, s9;
	s15 =	simm.s32 $0xB400;
	[sflag:s5] =	ssyncadd.s32 $0xFFFFF000  }
0x5a: {  	[hbm4b:s6+s2] =	stream.linear.scatter [tilespmem:s15], [sflag:$0xE], $0x1000, $0x38;
	[tilespmem:$0xE400] =	vst v63  }
0x5b: {  	_ =	swait.ge [sflag:s14], $0x1000  }
0x5c: {  	[sflag:s14] =	ssyncset.done $0x0  }
0x5d: {  	s6 =	sadd.s32 @!p0 $0x680, s25;
	s15 =	simm.s32 @!p0 $0xB400;
	[sflag:s14] =	ssyncadd.s32 $0xFFFFF000  }
0x5e: {  	[tilespmem:s15], [sflag:$0x6] =	stream.indirect.gather @!p0 [hbm4b:s3+s28], $0x20, s6, s28, $0xb8;
	[tilespmem:$0xE400] =	vst v63  }
0x5f: {  	_ =	swait.ge [sflag:s16], $0x1000  }
0x60: {  	[sflag:s16] =	ssyncset.done $0x0  }
0x61: {  	s6 =	sadd.s32 s23, s8;
	s15 =	simm.s32 $0xC400;
	[sflag:s16] =	ssyncadd.s32 $0xFFFFF000  }
0x62: {  	[hbm4b:s6+s2] =	stream.linear.scatter [tilespmem:s15], [sflag:$0xF], $0x1000, $0x38;
	[tilespmem:$0xE400] =	vst v63  }
0x63: {  	_ =	swait.ge [sflag:s17], $0x1000  }
0x64: {  	[sflag:s17] =	ssyncset.done $0x0  }
0x65: {  	s6 =	sadd.s32 @!p0 $0x700, s25;
	s15 =	simm.s32 @!p0 $0xC400;
	[sflag:s17] =	ssyncadd.s32 $0xFFFFF000  }
0x66: {  	[tilespmem:s15], [sflag:$0x7] =	stream.indirect.gather @!p0 [hbm4b:s3+s28], $0x20, s6, s28, $0xb8;
	[tilespmem:$0xE400] =	vst v63  }
0x67: {  	_ =	swait.ge [sflag:s19], $0x1000  }
0x68: {  	[sflag:s19] =	ssyncset.done $0x0  }
.Ltmp2:
0x69: {  	s28 =	sadd.s32 s23, s7;
	[sflag:s19] =	ssyncadd.s32 $0xFFFFF000;
	(pc) =	sbr.rel @p0 .LBB2_4-.Ltmp2, $4  }
0x6a: {  	[hbm4b:s28+s2] =	stream.linear.scatter [tilespmem:s30], [sflag:$0x10], $0x1000, $0x38;
	[tilespmem:$0xE400] =	vst v63  }
0x6b: {  	_ =	swait.ge [sflag:s21], $0x1000  }
0x6c: {  	[sflag:s21] =	ssyncset.done $0x0  }
0x6d: {  	[sflag:s21] =	ssyncadd.s32 $0xFFFFF000  }
.Ltmp3:
0x6e: {  	(pc) =	sbr.rel .LBB2_2-.Ltmp3, $4  }
0x6f: {  	_ = 	snop  }
0x70: {  	s6 =	sshra.s32 s23, $0x2  }
0x71: {  	s15 =	simm.s32 $0x80;
	s23 =	sadd.s32 $0x1000, s23;
	s6 =	sadd.s32 $0x780, s6  }
0x72: {  	[tilespmem:s30], [sflag:$0x8] =	stream.indirect.gather [hbm4b:s3+s15], $0x20, s6, s15, $0xb8;
	[tilespmem:$0xE400] =	vst v63  }
.LBB2_5:
0x73: {  	_ =	sfence.sel $0x180000  }
0x74: {  	[bflag:$0x0] =	sbarrier.arrive $0xFFFF  }
0x75: {  	_ =	strace $0x90000047  }
0x76: {  	s0 =	stileid.u32;
	[bflag:$0x2] =	sbarrier.arrive $0xFFFF  }
0x77: {  	p0 =	sne.s32 s0, $0x0;
	s0 =	rddreg [dreg:$0x3]  }
0x78: {  	s0 =	sadd.s32 @!p0 $0x100000, s0  }
0x79: {  	[sflag:s0] =	ssyncadd.tile.s32 @!p0 $0x1;
	_ =	shalt  }
.Lfunc_end2:
_tile_overlayer_lowered:
.L_overlay_start_2:
0x7a: {  	(tag) =	ssettag $0x2  }
0x7b: {  	s0 =	rddreg [dreg:$0x0];
	s2 =	stileid.u32  }
0x7c: {  	s1 =	rddreg [dreg:$0x1];
	p0 =	sne.s32 s2, $0x0  }
0x7d: {  	s3 =	rddreg [dreg:$0x2];
	[bflag:$0x3] =	sbarrier.arrive $0xFFFF;
	s2 =	simm.s32 @!p0 $0x1C11  }
0x7e: {  	[timem:s3], [sflag:s2] =	dma.local @!p0 [hbm:s0], s1  }
0x7f: {  	s0 =	simm.s32 @!p0 $0x11  }
0x80: {  	_ =	swait.ge @!p0 [sflag:s0], s1  }
0x81: {  	s1 =	ssub.s32 @!p0 $0x0, s1;
	[sflag:s0] =	ssyncset.done @!p0 $0x0  }
0x82: {  	[sflag:s0] =	ssyncadd.s32 @!p0 s1  }
0x83: {  	[bflag:$0x3] =	sbarrier.arrive $0xFFFF  }
0x84: {  	_ =	shalt  }

// kernel: sparse-core-data-format-call.cloned.1.call-start
scs
called_computation_lowered:
.L_overlay_start_0:
0x0: {  	s2 =	sld [smem:$0x3FD9]  }
0x1: {  	s3 =	sld [smem:$0x3FFE];
	_ =	sdelay $0x1  }
0x2: {  	s1 =	srdreg.scid  }
0x3: {  	s0 =	sand.u32 $0x1, s1  }
0x4: {  	s18 =	sshll.u32 s0, $0xA;
	s2 =	sadd.s32 s3, s2  }
0x5: {  	s2 =	sadd.s32 s2, s18  }
0x6: {  	[smem:$0x3FC6] =	sst s2  }
0x7: {  	_ = 	snop  }
0x8: {  	s2 =	sld [smem:$0x3FD0];
	(tm) =	ssettm $0x1  }
0x9: {  	s19 =	sld [smem:$0x3FFB];
	_ =	sdelay $0x3  }
0xa: {  	_ =	strace s19  }
0xb: {  	s3 =	sld [smem:$0x3FFC];
	_ =	sdelay $0x3  }
0xc: {  	_ =	strace s3  }
0xd: {  	s3 =	sld [smem:$0x3FFD];
	_ =	sdelay $0x3  }
0xe: {  	_ =	strace s3  }
0xf: {  	_ =	strace $0x8FFFFFFF  }
0x10: {  	s20 =	sld [smem:$0x3FDB];
	_ =	sdelay $0x1  }
0x11: {  	s4 =	simm.s32 $_scs_section_size  }
0x12: {  	s5 =	simm.s32 $_size__tile_overlayer_lowered;
	s6 =	simm.s32 $_tile_overlayer_lowered  }
0x13: {  	s23 =	simm.s32 $0x1BFF;
	s22 =	sshll.u32 s6, $0x1;
	s3 =	sadd.s32 s4, s20  }
0x14: {  	s7 =	simm.s32 $0x0;
	s21 =	sshll.u32 s5, $0x1;
	s5 =	sadd.s32 s22, s3  }
0x15: {  	[timem:s7], [sflag:s23] =	dma.local [hbm:s5], s21  }
0x16: {  	_ =	swait.ge [sflag:s23], s21  }
0x17: {  	s4 =	ssub.s32 $0x0, s21;
	[sflag:s23] =	ssyncset.done $0x0  }
0x18: {  	[sflag:s23] =	ssyncadd.s32 s4;
	_ =	sdelay $0x1  }
0x19: {  	s24 =	simm.s32 $0x1B8B  }
0x1a: {  	_ =	swait.ge [sflag:s24], $0x1  }
0x1b: {  	[sflag:s24] =	ssyncset.done $0x0  }
0x1c: {  	s26 =	simm.s32 $0x1B8E;
	s25 =	sld [smem:$0x3FFE];
	[sflag:s24] =	ssyncadd.s32 $0xFFFFFFFF  }
0x1d: {  	s27 =	simm.s32 $execute0_lowered;
	[smem:$0x3FD2] =	sst s26  }
0x1e: {  	s5 =	sshll.u32 s27, $0x1;
	_ =	strace $0x80000049;
	[dreg:$0x1] =	wrdreg $0xFFFFFFFF  }
0x1f: {  	s28 =	simm.s32 $_size_execute0_lowered;
	s3 =	sadd.s32 s3, s5;
	[dreg:$0x0] =	wrdreg $0x0  }
0x20: {  	s5 =	sshll.u32 s28, $0x1;
	[dreg:$0x2] =	wrdreg s3  }
0x21: {  	[dreg:$0x3] =	wrdreg s5  }
0x22: {  	[dreg:$0x4] =	wrdreg $0xC0  }
0x23: {  	_ =	task [dreg:s7], $0x5FFFF  }
0x24: {  	[dreg:$0x1] =	wrdreg $0xFFFFFFFF  }
0x25: {  	[dreg:$0x0] =	wrdreg $0x60  }
0x26: {  	[dreg:$0x2] =	wrdreg s25  }
0x27: {  	[dreg:$0x3] =	wrdreg s2  }
0x28: {  	[dreg:$0x4] =	wrdreg $0x9  }
0x29: {  	_ =	task.clear_ibuf [dreg:s7], $0x5FFFF;
	_ =	strace $0x90000049  }
0x2a: {  	s29 =	simm.s32 $0x9;
	_ =	strace $0x8000004B  }
0x2b: {  	_ =	swait.ge [sflag:s29], $0x1  }
0x2c: {  	[sflag:s29] =	ssyncadd.s32 $0xFFFFFFFF  }
0x2d: {  	_ =	strace $0x9000004B  }
0x2e: {  	_ =	sfence  }
0x2f: {  	s30 =	sld [smem:$0x0];
	_ =	sdelay $0x2  }
0x30: {  	s31 =	sshll.u32 s1, $0xD;
	s1 =	sshrl.u32 s1, $0x2  }
0x31: {  	s3 =	sand.u32 $0x4000, s31;
	s1 =	sadd.s32 s1, s30  }
0x32: {  	s0 =	sor.u32 s3, s0;
	s1 =	sshll.u32 s1, $0x11  }
0x33: {  	s0 =	sor.u32 s1, s0  }
0x34: {  	s0 =	sadd.s32 $0x8F2B, s0  }
0x35: {  	[sflag:s0] =	ssyncadd.remote.s32 $0x1  }
0x36: {  	_ =	sfence.sel $0xFFFF  }
0x37: {  	[dreg:$0x0] =	wrdreg $0xFFFFFFFF;
	(pc) =	sbr.abs _section_cstart, $3  }
0x38: {  	[dreg:$0x1] =	wrdreg $0xFFFFFFFF  }
0x39: {  	_ =	task.clear_ibuf [dreg:s7], $0x2FFFF;
	_ =	strace $0x9FFFFFFF  }
0x3a: {  	(tm) =	ssettm $0x7FFFFFFF  }
0x3b: {  	_ =	shalt  }
tec
execute0_lowered:
.L_overlay_start_1:
0x0: {  	(tag) =	ssettag $0x1  }
0x1: {  	s0 =	srdreg.scid  }
0x2: {  	s1 =	sshll.u32 s0, $0x4  }
0x3: {  	s4 =	rddreg [dreg:$0x0];
	s0 =	stileid.u32;
	s1 =	sand.u32 $0x10, s1  }
0x4: {  	s2 =	rddreg [dreg:$0x1];
	s7 =	simm.s32 $0x1;
	s1 =	sor.u32 s0, s1  }
0x5: {  	s8 =	simm.s32 $0x2;
	s11 =	simm.s32 $0x0;
	s3 =	sshll.u32 s1, $0x7  }
0x6: {  	s10 =	simm.s32 $0x0;
	s4 =	sadd.s32 $0x800, s4;
	s6 =	ssub.s32 $0xC8000, s3  }
.Ltmp0:
0x7: {  	s1 =	rddreg [dreg:$0x2];
	s5 =	sand.u32 $0xF80, s6;
	(pc) =	sbr.rel .LBB1_1-.Ltmp0, $4  }
0x8: {  	_ =	strace $0x8000004A;
	s9 =	smov.u32 s3;
	p0 =	sne.s32 s5, $0x0  }
0x9: {  	s6 =	sshrl.u32 s6, $0xC;
	s5 =	simm.s32 $0x1;
	s7 =	simm.s32 @!p0 $0x0  }
0xa: {  	[sflag:s5] =	ssyncpa.u1 $0x0;
	p0 =	por $0x0, $0x0;
	s6 =	sadd.s32 s7, s6  }
0xb: {  	[sflag:s8] =	ssyncpa.u1 $0x0;
	s8 =	simm.s32 $0x640000;
	s7 =	sadd.s32 $0x1, s6  }
.LBB1_4:
0xc: {  	s14 =	sshll.u32 s11, $0x3  }
0xd: {  	s30 =	sand.u32 $0x7F, s11;
	s15 =	sand.u32 $0xFFFFFC00, s14  }
0xe: {  	s11 =	sor.u32 s30, s15  }
0xf: {  	s15 =	smulhi.u32 $0x51EB851F, s11  }
0x10: {  	s14 =	smulhi.u32 $0x51EB851F, s14  }
0x11: {  	s15 =	sshrl.u32 s15, $0x12  }
0x12: {  	s14 =	sshrl.u32 s14, $0x12;
	s15 =	smul.u32 $0xC8000, s15  }
0x13: {  	s14 =	sand.u32 $0x1F, s14  }
0x14: {  	s14 =	smul.u32 $0x19000, s14;
	s11 =	ssub.s32 s11, s15  }
0x15: {  	s15 =	sand.u32 $0x7, s11  }
0x16: {  	s14 =	sadd.s32 s2, s14;
	s11 =	sshrl.u32 s11, $0x3;
	s15 =	sshll.u32 s15, $0x12  }
0x17: {  	[tilespmem:s13+$0x0 ss:$0x81] =	vst.msk $0xffff, v0;
	s11 =	sadd.s32 s11, s14;
	s31 =	sor.u32 $0x400, s15  }
0x18: {  	[hbm4b:s11+s31] =	stream.strided.scatter [tilespmem:s12], [sflag:$0x2], $0x1000, s8, s31, $0x20;
	[tilespmem:$0x4040] =	vst v63  }
.LBB1_5:
0x19: {  	s13 =	sadd.s32 $0x1000, s9  }
0x1a: {  	p2 =	sgt.s32 s13, $0xC7FFF  }
0x1b: {  	s13 =	smov.u32 @p2 s3;
	p2 =	sne.s32 s10, s7  }
.Ltmp1:
0x1c: {  	p1 =	slt.u32 s10, $0x2;
	(pc) =	sbr.rel @!p2 .LBB1_6-.Ltmp1, $4  }
0x1d: {  	s12 =	simm.s32 @!p1 $0x2  }
0x1e: {  	s14 =	sadd.s32 $0x1, s10;
	_ =	swait.ge @!p1 [sflag:s12], $0x1000  }
0x1f: {  	s11 =	smov.u32 s9;
	p0 =	por !p0, !p0;
	[sflag:s12] =	ssyncset.done @!p1 $0x0  }
0x20: {  	s10 =	smov.u32 s14;
	s9 =	smov.u32 s13;
	[sflag:s12] =	ssyncadd.s32 @!p1 $0xFFFFF000  }
.LBB1_1:
0x21: {  	p1 =	sge.u32 s10, s6  }
0x22: {  	s12 =	sand.u32 @!p1 $0x1FFFFFF, s9  }
0x23: {  	s13 =	smulhi.u32 @!p1 $0x147AE15, s12;
	_ =	sdelay $0x1  }
0x24: {  	s13 =	sshrl.u32 @!p1 s13, $0xC  }
0x25: {  	s13 =	smul.u32 @!p1 $0xC8000, s13;
	_ =	sdelay $0x1  }
0x26: {  	s31 =	sadd.s32 $0xFFFFFFFF, s10;
	s14 =	sxor.u32 @!p1 $0xFFFFFFFF, s10;
	s12 =	ssub.s32 @!p1 s12, s13  }
0x27: {  	s15 =	simm.s32 @!p1 $0x80;
	s14 =	sshll.u32 @!p1 s14, $0xC;
	s12 =	sshll.u32 @!p1 s12, $0x4  }
0x28: {  	s13 =	sand.u32 @!p1 $0x1000, s14;
	s14 =	simm.s32 @!p1 $0x20;
	s12 =	sadd.s32 @!p1 s4, s12  }
0x29: {  	[tilespmem:s13], [sflag:$0x1] =	stream.strided.gather @!p1 [hbm4b:s12+s14], $0x1000, s15, s14, $0x38;
	[tilespmem:$0x4040] =	vst v63  }
0x2a: {  	p1 =	sge.u32 s31, s6  }
.Ltmp2:
0x2b: {  	_ = 	snop;
	(pc) =	sbr.rel @p1 .LBB1_5-.Ltmp2, $1  }
0x2c: {  	_ =	sdelay $0x3  }
0x2d: {  	s12 =	simm.s32 $0x1  }
0x2e: {  	_ =	swait.ge [sflag:s5], $0x1000;
	s12 =	simm.s32 @!p0 $0x0  }
0x2f: {  	[sflag:s5] =	ssyncset.done $0x0;
	s13 =	sshll.u32 s12, $0xC  }
0x30: {  	[sflag:s5] =	ssyncadd.s32 $0xFFFFF000;
	s16 =	sor.u32 $0x10, s13  }
0x31: {  	s12 =	smul.u32 $0x4080, s12;
	v1 =	vld [tilespmem:s16+$0x0]  }
0x32: {  	s30 =	sand.u32 $0x1, s10;
	v0 =	vld [tilespmem:s16+$0xFFFFFFF0]  }
0x33: {  	s13 =	smul.u32 $0x4080, s30;
	s12 =	sshrl.u32 s12, $0x2  }
0x34: {  	s14 =	sor.u32 $0x2000, s12  }
0x35: {  	s31 =	sshrl.u32 s13, $0x2;
	s13 =	sadd.s32 $0x0, s14  }
0x36: {  	s15 =	simm.s32 $0x4;
	s16 =	sadd.s32 $0x20, s16;
	s12 =	sor.u32 $0x2000, s31;
	[tilespmem:s13+$0x810 ss:$0x81] =	vst.msk $0xffff, v1  }
.LBB1_3:
0x37: {  	v1 =	vld [tilespmem:s16+$0x0];
	p1 =	sne.s32 s15, $0x1FC;
	[tilespmem:s13+$0x0 ss:$0x81] =	vst.msk $0xffff, v0;
	s13 =	smov.u32 s15;
	s15 =	sadd.s32 $0x4, s15  }
.Ltmp3:
0x38: {  	v0 =	vld [tilespmem:s16+$0xFFFFFFF0];
	(pc) =	sbr.rel @p1 .LBB1_3-.Ltmp3, $4  }
0x39: {  	_ = 	snop  }
0x3a: {  	s13 =	sshra.s32 s13, $0x2  }
0x3b: {  	s13 =	sadd.s32 s13, s14  }
0x3c: {  	s16 =	sadd.s32 $0x20, s16;
	[tilespmem:s13+$0x810 ss:$0x81] =	vst.msk $0xffff, v1  }
.Ltmp4:
0x3d: {  	_ = 	snop;
	(pc) =	sbr.rel .LBB1_4-.Ltmp4, $1  }
0x3e: {  	_ =	sdelay $0x3  }
.LBB1_6:
0x3f: {  	_ =	sfence.sel $0x180000  }
0x40: {  	s2 =	simm.s32 $0x1;
	[bflag:$0x0] =	sbarrier.arrive $0xFFFF  }
0x41: {  	s31 =	simm.s32 $0x2;
	[sflag:s2] =	ssyncpa.u1 $0x1  }
0x42: {  	[sflag:s31] =	ssyncpa.u1 $0x1  }
0x43: {  	p0 =	sne.s32 s0, $0x0;
	_ =	strace $0x9000004A  }
0x44: {  	s0 =	sadd.s32 @!p0 $0x100000, s1;
	[bflag:$0x2] =	sbarrier.arrive $0xFFFF  }
0x45: {  	[sflag:s0] =	ssyncadd.tile.s32 @!p0 $0x1;
	_ =	shalt  }
.Lfunc_end1:
_tile_overlayer_lowered:
.L_overlay_start_2:
0x46: {  	(tag) =	ssettag $0x2  }
0x47: {  	s0 =	rddreg [dreg:$0x0];
	s2 =	stileid.u32  }
0x48: {  	s1 =	rddreg [dreg:$0x1];
	p0 =	sne.s32 s2, $0x0  }
0x49: {  	s3 =	rddreg [dreg:$0x2];
	[bflag:$0x3] =	sbarrier.arrive $0xFFFF;
	s2 =	simm.s32 @!p0 $0x1C01  }
0x4a: {  	[timem:s3], [sflag:s2] =	dma.local @!p0 [hbm:s0], s1  }
0x4b: {  	s0 =	simm.s32 @!p0 $0x1  }
0x4c: {  	_ =	swait.ge @!p0 [sflag:s0], s1  }
0x4d: {  	s1 =	ssub.s32 @!p0 $0x0, s1;
	[sflag:s0] =	ssyncset.done @!p0 $0x0  }
0x4e: {  	[sflag:s0] =	ssyncadd.s32 @!p0 s1  }
0x4f: {  	[bflag:$0x3] =	sbarrier.arrive $0xFFFF  }
0x50: {  	_ =	shalt  }

</sc_bundles>
